<compile_context>
chip_gen: v7x
topology: tpu7x:2x2x1
jax: 0.10.2.dev20260603
libtpu: 0.0.44.dev20260713+nightly
codegen_flags: <defaults>
</compile_context>

<pallas_src>
import functools
import math

import jax
import jax.numpy as jnp
from jax import lax
from jax.experimental import pallas as pl
from jax.experimental.pallas import tpu as pltpu
from jax.experimental.pallas import tpu_sc as plsc

D_MODEL = 64
D_PAD = 128
SCALE = math.sqrt(D_MODEL)
VOCAB = 100000

NC, NS = 2, 16
NW = NC * NS

B_TOKENS = 4096 * 200


def _scale_body(lut_ref, out_ref):
    v = lut_ref[...] * SCALE
    out_ref[...] = jnp.concatenate([v, jnp.zeros_like(v)], axis=1)


def _scaled_table(lut):
    return pl.pallas_call(
        _scale_body,
        out_shape=jax.ShapeDtypeStruct((VOCAB, D_PAD), jnp.float32),
        grid=(10,),
        in_specs=[pl.BlockSpec((VOCAB // 10, D_MODEL), lambda i: (i, 0))],
        out_specs=pl.BlockSpec((VOCAB // 10, D_PAD), lambda i: (i, 0)),
    )(lut)


NSEQ, TSEQ = 4096, 200
SEQ_W = NSEQ // NW
SPC = 1
CHUNK_T = SPC * TSEQ
NCHUNK_S = SEQ_W // SPC


@functools.partial(
    pl.kernel,
    out_type=jax.ShapeDtypeStruct((B_TOKENS, D_PAD), jnp.float32),
    mesh=plsc.VectorSubcoreMesh(core_axis_name="c", subcore_axis_name="s"),
    scratch_types=[
        pltpu.VMEM((SEQ_W, 128), jnp.int32),
        pltpu.VMEM((SEQ_W, 128), jnp.int32),
        pltpu.VMEM((3, CHUNK_T, D_PAD), jnp.float32),
        pltpu.SemaphoreType.DMA,
        pltpu.SemaphoreType.DMA,
        pltpu.SemaphoreType.DMA,
        pltpu.SemaphoreType.DMA,
        pltpu.SemaphoreType.DMA,
        pltpu.SemaphoreType.DMA,
    ],
    compiler_params=pltpu.CompilerParams(use_tc_tiling_on_sc=False),
)
def _sc_gather(xa_hbm, xb_hbm, tab_hbm, out_hbm, idx_a, idx_b, rows_v,
               sem_g0, sem_g1, sem_g2, sem_o0, sem_o1, sem_o2):
    wid = lax.axis_index("s") * NC + lax.axis_index("c")
    seq_base = wid * SEQ_W
    sem_g = (sem_g0, sem_g1, sem_g2)
    sem_o = (sem_o0, sem_o1, sem_o2)

    pltpu.sync_copy(xa_hbm.at[pl.ds(seq_base, SEQ_W)], idx_a)
    pltpu.sync_copy(xb_hbm.at[pl.ds(seq_base, SEQ_W)], idx_b)

    def fire_gathers(ii, b):
        for s in range(SPC):
            seq = ii * SPC + s
            pltpu.async_copy(
                tab_hbm.at[idx_a.at[seq]],
                rows_v.at[b].at[pl.ds(s * TSEQ, 128)],
                sem_g[b],
            )
            pltpu.async_copy(
                tab_hbm.at[idx_b.at[seq, pl.ds(0, TSEQ - 128)]],
                rows_v.at[b].at[pl.ds(s * TSEQ + 128, TSEQ - 128)],
                sem_g[b],
            )

    def out_slice(ii):
        return out_hbm.at[pl.ds((seq_base + ii * SPC) * TSEQ, CHUNK_T)]

    fire_gathers(0, 0)
    fire_gathers(1, 1)

    @pl.loop(0, NCHUNK_S, step=3)
    def _chunk(i):
        for b in range(3):
            ii = i + b
            b2 = (b + 2) % 3

            @pl.when(ii < NCHUNK_S)
            def _body():
                @pl.when(jnp.logical_and(ii >= 1, ii + 2 < NCHUNK_S))
                def _drain_out():
                    pltpu.make_async_copy(rows_v.at[b2], out_slice(ii), sem_o[b2]).wait()

                @pl.when(ii + 2 < NCHUNK_S)
                def _next_gathers():
                    fire_gathers(ii + 2, b2)

                pltpu.make_async_copy(tab_hbm.at[pl.ds(0, CHUNK_T)], rows_v.at[b], sem_g[b]).wait()
                pltpu.async_copy(rows_v.at[b], out_slice(ii), sem_o[b])

    for k in range(3):
        ii = NCHUNK_S - 3 + k
        pltpu.make_async_copy(rows_v.at[ii % 3], out_slice(ii), sem_o[ii % 3]).wait()


def kernel(x, lut):
    xi = x.astype(jnp.int32)
    xa = xi[:, :128]
    xb = jnp.pad(xi[:, 128:], ((0, 0), (0, 256 - TSEQ)))
    tab = _scaled_table(lut)
    out = _sc_gather(xa, xb, tab)
    return out[:, :D_MODEL].reshape(4096, 200, D_MODEL)

# --- scband reference (transcript-rebuilt; emitter-appended) ---
"""Pipeline reference for scband-embeddings-27298812134004 (READ-ONLY COPY).

The authoritative reference and input builder live on the scoring server;
editing this copy changes nothing except your own understanding.
"""

import jax, jax.numpy as jnp
import numpy as np
import math

D_MODEL = 64
VOCAB = 100000

def setup_inputs(seed: int = 0) -> dict:
    key = jax.random.key(seed)
    k1, k2 = jax.random.split(key)
    x = jax.random.randint(k1, (4096, 200), 0, VOCAB, dtype=jnp.int64) if jax.config.jax_enable_x64 else jax.random.randint(k1, (4096, 200), 0, VOCAB, dtype=jnp.int32)
    # nn.Embedding default init: N(0, 1)
    lut = jax.random.normal(k2, (VOCAB, D_MODEL), dtype=jnp.float32)
    return {"x": x, "lut": lut}

def reference(x, lut):
    # Embeddings.forward: self.lut(x) * sqrt(d_model)
    emb = jnp.take(lut, x, axis=0)
    return emb * math.sqrt(D_MODEL)

if __name__ == "__main__":
    import jax
    _d = setup_inputs()
    print(jax.jit(kernel)(*tuple(_d.values())))

</pallas_src>

<mosaic_0001>
#map = affine_map<(d0, d1) -> (0, 0)>
module attributes {stable_mosaic.version = 14 : i64} {
  func.func @_sc_gather(%arg0: i32, %arg1: i32, %arg2: memref<4096x128xi32, #tpu.memory_space<hbm>>, %arg3: memref<4096x128xi32, #tpu.memory_space<hbm>>, %arg4: memref<100000x128xf32, #tpu.memory_space<hbm>>, %arg5: memref<819200x128xf32, #tpu.memory_space<hbm>>, %arg6: memref<128x128xi32, #tpu.memory_space<vmem>>, %arg7: memref<128x128xi32, #tpu.memory_space<vmem>>, %arg8: memref<3x200x128xf32, #tpu.memory_space<vmem>>, %arg9: memref<!tpu.dma_semaphore, #tpu.memory_space<semaphore_mem>>, %arg10: memref<!tpu.dma_semaphore, #tpu.memory_space<semaphore_mem>>, %arg11: memref<!tpu.dma_semaphore, #tpu.memory_space<semaphore_mem>>, %arg12: memref<!tpu.dma_semaphore, #tpu.memory_space<semaphore_mem>>, %arg13: memref<!tpu.dma_semaphore, #tpu.memory_space<semaphore_mem>>, %arg14: memref<!tpu.dma_semaphore, #tpu.memory_space<semaphore_mem>>) attributes {dimension_semantics = [#tpu.dimension_semantics<core_parallel>, #tpu.dimension_semantics<subcore_parallel>], iteration_bounds = array<i64: 2, 16>, scalar_prefetch = 0 : i64, scratch_operands = 9 : i64, tpu.core_type = #tpu.core_type<sc_vector_subcore>, window_params = [{transform_indices = #map}, {transform_indices = #map}, {transform_indices = #map}, {transform_indices = #map}]} {
    %mul3A = arith.constant 2 : i32
    %mul3A_0 = arith.muli %arg1, %mul3A : i32
    %add3A = arith.addi %mul3A_0, %arg0 : i32
    %mul3A_1 = arith.constant 128 : i32
    %mul3A_2 = arith.muli %add3A, %mul3A_1 : i32
    "tpu.region"() ({
      %run_scoped3A = tpu.sem_alloc : memref<!tpu.dma_semaphore, #tpu.memory_space<semaphore_mem>>
      %dma_start3A_116 = arith.constant 0 : i32
      %dma_start3A_117 = tpu.memref_slice %arg2[%mul3A_2, %dma_start3A_116] : memref<4096x128xi32, #tpu.memory_space<hbm>> -> memref<128x128xi32, #tpu.memory_space<hbm>>
      %dma_start3A_118 = arith.constant 0 : i32
      %dma_start3A_119 = tpu.memref_slice %arg2[%mul3A_2, %dma_start3A_118] : memref<4096x128xi32, #tpu.memory_space<hbm>> -> memref<128x128xi32, #tpu.memory_space<hbm>>
      tpu.enqueue_dma source(%dma_start3A_119 : memref<128x128xi32, #tpu.memory_space<hbm>>) target(%arg6 : memref<128x128xi32, #tpu.memory_space<vmem>>) target_semaphore(%run_scoped3A : memref<!tpu.dma_semaphore, #tpu.memory_space<semaphore_mem>>)
      %dma_wait3A_120 = arith.constant 0 : i32
      %dma_wait3A_121 = tpu.memref_slice %arg2[%mul3A_2, %dma_wait3A_120] : memref<4096x128xi32, #tpu.memory_space<hbm>> -> memref<128x128xi32, #tpu.memory_space<hbm>>
      %dma_wait3A_122 = arith.constant 0 : i32
      %dma_wait3A_123 = tpu.memref_slice %arg2[%mul3A_2, %dma_wait3A_122] : memref<4096x128xi32, #tpu.memory_space<hbm>> -> memref<128x128xi32, #tpu.memory_space<hbm>>
      tpu.wait_dma2 semaphore(%run_scoped3A : memref<!tpu.dma_semaphore, #tpu.memory_space<semaphore_mem>>) src(%dma_wait3A_123 : memref<128x128xi32, #tpu.memory_space<hbm>>) dst(%arg6 : memref<128x128xi32, #tpu.memory_space<vmem>>)
      tpu.yield
    }) : () -> ()
    "tpu.region"() ({
      %run_scoped3A = tpu.sem_alloc : memref<!tpu.dma_semaphore, #tpu.memory_space<semaphore_mem>>
      %dma_start3A_116 = arith.constant 0 : i32
      %dma_start3A_117 = tpu.memref_slice %arg3[%mul3A_2, %dma_start3A_116] : memref<4096x128xi32, #tpu.memory_space<hbm>> -> memref<128x128xi32, #tpu.memory_space<hbm>>
      %dma_start3A_118 = arith.constant 0 : i32
      %dma_start3A_119 = tpu.memref_slice %arg3[%mul3A_2, %dma_start3A_118] : memref<4096x128xi32, #tpu.memory_space<hbm>> -> memref<128x128xi32, #tpu.memory_space<hbm>>
      tpu.enqueue_dma source(%dma_start3A_119 : memref<128x128xi32, #tpu.memory_space<hbm>>) target(%arg7 : memref<128x128xi32, #tpu.memory_space<vmem>>) target_semaphore(%run_scoped3A : memref<!tpu.dma_semaphore, #tpu.memory_space<semaphore_mem>>)
      %dma_wait3A_120 = arith.constant 0 : i32
      %dma_wait3A_121 = tpu.memref_slice %arg3[%mul3A_2, %dma_wait3A_120] : memref<4096x128xi32, #tpu.memory_space<hbm>> -> memref<128x128xi32, #tpu.memory_space<hbm>>
      %dma_wait3A_122 = arith.constant 0 : i32
      %dma_wait3A_123 = tpu.memref_slice %arg3[%mul3A_2, %dma_wait3A_122] : memref<4096x128xi32, #tpu.memory_space<hbm>> -> memref<128x128xi32, #tpu.memory_space<hbm>>
      tpu.wait_dma2 semaphore(%run_scoped3A : memref<!tpu.dma_semaphore, #tpu.memory_space<semaphore_mem>>) src(%dma_wait3A_123 : memref<128x128xi32, #tpu.memory_space<hbm>>) dst(%arg7 : memref<128x128xi32, #tpu.memory_space<vmem>>)
      tpu.yield
    }) : () -> ()
    %dma_start3A = arith.constant 0 : i32
    %dma_start3A_3 = arith.constant 0 : i32
    %dma_start3A_4 = arith.constant 0 : i32
    %dma_start3A_5 = arith.constant 0 : i32
    %dma_start3A_6 = tpu.memref_slice %arg8[%dma_start3A_3, %dma_start3A_4, %dma_start3A_5] : memref<3x200x128xf32, #tpu.memory_space<vmem>> -> memref<1x200x128xf32, #tpu.memory_space<vmem>>
    %dma_start3A_7 = tpu.memref_squeeze %dma_start3A_6 : memref<1x200x128xf32, #tpu.memory_space<vmem>> -> memref<200x128xf32, #tpu.memory_space<vmem>>
    %dma_start3A_8 = arith.constant 0 : i32
    %dma_start3A_9 = arith.constant 0 : i32
    %dma_start3A_10 = tpu.memref_slice %dma_start3A_7[%dma_start3A_8, %dma_start3A_9] : memref<200x128xf32, #tpu.memory_space<vmem>> -> memref<128x128xf32, #tpu.memory_space<vmem>>
    %dma_start3A_11 = arith.constant 0 : i32
    %dma_start3A_12 = tpu.memref_slice %arg6[%dma_start3A, %dma_start3A_11] : memref<128x128xi32, #tpu.memory_space<vmem>> -> memref<1x128xi32, #tpu.memory_space<vmem>>
    %dma_start3A_13 = tpu.memref_squeeze %dma_start3A_12 : memref<1x128xi32, #tpu.memory_space<vmem>> -> memref<128xi32, #tpu.memory_space<vmem>>
    %dma_start3A_14 = arith.constant 0 : i32
    %dma_start3A_15 = arith.constant 0 : i32
    %dma_start3A_16 = tpu.memref_slice %arg4[%dma_start3A_14, %dma_start3A_15] : memref<100000x128xf32, #tpu.memory_space<hbm>> -> memref<100000x128xf32, #tpu.memory_space<hbm>>
    tpu.enqueue_indirect_dma source(%dma_start3A_16 : memref<100000x128xf32, #tpu.memory_space<hbm>>) target(%dma_start3A_10 : memref<128x128xf32, #tpu.memory_space<vmem>>) offsets(%dma_start3A_13 : memref<128xi32, #tpu.memory_space<vmem>>) semaphore(%arg9 : memref<!tpu.dma_semaphore, #tpu.memory_space<semaphore_mem>>)
    %dma_start3A_17 = arith.constant 0 : i32
    %dma_start3A_18 = arith.constant 0 : i32
    %dma_start3A_19 = arith.constant 0 : i32
    %dma_start3A_20 = arith.constant 0 : i32
    %dma_start3A_21 = tpu.memref_slice %arg8[%dma_start3A_18, %dma_start3A_19, %dma_start3A_20] : memref<3x200x128xf32, #tpu.memory_space<vmem>> -> memref<1x200x128xf32, #tpu.memory_space<vmem>>
    %dma_start3A_22 = tpu.memref_squeeze %dma_start3A_21 : memref<1x200x128xf32, #tpu.memory_space<vmem>> -> memref<200x128xf32, #tpu.memory_space<vmem>>
    %dma_start3A_23 = arith.constant 128 : i32
    %dma_start3A_24 = arith.constant 0 : i32
    %dma_start3A_25 = tpu.memref_slice %dma_start3A_22[%dma_start3A_23, %dma_start3A_24] : memref<200x128xf32, #tpu.memory_space<vmem>> -> memref<72x128xf32, #tpu.memory_space<vmem>>
    %dma_start3A_26 = arith.constant 0 : i32
    %dma_start3A_27 = tpu.memref_slice %arg7[%dma_start3A_17, %dma_start3A_26] : memref<128x128xi32, #tpu.memory_space<vmem>> -> memref<1x72xi32, #tpu.memory_space<vmem>>
    %dma_start3A_28 = tpu.memref_squeeze %dma_start3A_27 : memref<1x72xi32, #tpu.memory_space<vmem>> -> memref<72xi32, #tpu.memory_space<vmem>>
    %dma_start3A_29 = arith.constant 0 : i32
    %dma_start3A_30 = arith.constant 0 : i32
    %dma_start3A_31 = tpu.memref_slice %arg4[%dma_start3A_29, %dma_start3A_30] : memref<100000x128xf32, #tpu.memory_space<hbm>> -> memref<100000x128xf32, #tpu.memory_space<hbm>>
    tpu.enqueue_indirect_dma source(%dma_start3A_31 : memref<100000x128xf32, #tpu.memory_space<hbm>>) target(%dma_start3A_25 : memref<72x128xf32, #tpu.memory_space<vmem>>) offsets(%dma_start3A_28 : memref<72xi32, #tpu.memory_space<vmem>>) semaphore(%arg9 : memref<!tpu.dma_semaphore, #tpu.memory_space<semaphore_mem>>)
    %dma_start3A_32 = arith.constant 1 : i32
    %dma_start3A_33 = arith.constant 1 : i32
    %dma_start3A_34 = arith.constant 0 : i32
    %dma_start3A_35 = arith.constant 0 : i32
    %dma_start3A_36 = tpu.memref_slice %arg8[%dma_start3A_33, %dma_start3A_34, %dma_start3A_35] : memref<3x200x128xf32, #tpu.memory_space<vmem>> -> memref<1x200x128xf32, #tpu.memory_space<vmem>>
    %dma_start3A_37 = tpu.memref_squeeze %dma_start3A_36 : memref<1x200x128xf32, #tpu.memory_space<vmem>> -> memref<200x128xf32, #tpu.memory_space<vmem>>
    %dma_start3A_38 = arith.constant 0 : i32
    %dma_start3A_39 = arith.constant 0 : i32
    %dma_start3A_40 = tpu.memref_slice %dma_start3A_37[%dma_start3A_38, %dma_start3A_39] : memref<200x128xf32, #tpu.memory_space<vmem>> -> memref<128x128xf32, #tpu.memory_space<vmem>>
    %dma_start3A_41 = arith.constant 0 : i32
    %dma_start3A_42 = tpu.memref_slice %arg6[%dma_start3A_32, %dma_start3A_41] : memref<128x128xi32, #tpu.memory_space<vmem>> -> memref<1x128xi32, #tpu.memory_space<vmem>>
    %dma_start3A_43 = tpu.memref_squeeze %dma_start3A_42 : memref<1x128xi32, #tpu.memory_space<vmem>> -> memref<128xi32, #tpu.memory_space<vmem>>
    %dma_start3A_44 = arith.constant 0 : i32
    %dma_start3A_45 = arith.constant 0 : i32
    %dma_start3A_46 = tpu.memref_slice %arg4[%dma_start3A_44, %dma_start3A_45] : memref<100000x128xf32, #tpu.memory_space<hbm>> -> memref<100000x128xf32, #tpu.memory_space<hbm>>
    tpu.enqueue_indirect_dma source(%dma_start3A_46 : memref<100000x128xf32, #tpu.memory_space<hbm>>) target(%dma_start3A_40 : memref<128x128xf32, #tpu.memory_space<vmem>>) offsets(%dma_start3A_43 : memref<128xi32, #tpu.memory_space<vmem>>) semaphore(%arg10 : memref<!tpu.dma_semaphore, #tpu.memory_space<semaphore_mem>>)
    %dma_start3A_47 = arith.constant 1 : i32
    %dma_start3A_48 = arith.constant 1 : i32
    %dma_start3A_49 = arith.constant 0 : i32
    %dma_start3A_50 = arith.constant 0 : i32
    %dma_start3A_51 = tpu.memref_slice %arg8[%dma_start3A_48, %dma_start3A_49, %dma_start3A_50] : memref<3x200x128xf32, #tpu.memory_space<vmem>> -> memref<1x200x128xf32, #tpu.memory_space<vmem>>
    %dma_start3A_52 = tpu.memref_squeeze %dma_start3A_51 : memref<1x200x128xf32, #tpu.memory_space<vmem>> -> memref<200x128xf32, #tpu.memory_space<vmem>>
    %dma_start3A_53 = arith.constant 128 : i32
    %dma_start3A_54 = arith.constant 0 : i32
    %dma_start3A_55 = tpu.memref_slice %dma_start3A_52[%dma_start3A_53, %dma_start3A_54] : memref<200x128xf32, #tpu.memory_space<vmem>> -> memref<72x128xf32, #tpu.memory_space<vmem>>
    %dma_start3A_56 = arith.constant 0 : i32
    %dma_start3A_57 = tpu.memref_slice %arg7[%dma_start3A_47, %dma_start3A_56] : memref<128x128xi32, #tpu.memory_space<vmem>> -> memref<1x72xi32, #tpu.memory_space<vmem>>
    %dma_start3A_58 = tpu.memref_squeeze %dma_start3A_57 : memref<1x72xi32, #tpu.memory_space<vmem>> -> memref<72xi32, #tpu.memory_space<vmem>>
    %dma_start3A_59 = arith.constant 0 : i32
    %dma_start3A_60 = arith.constant 0 : i32
    %dma_start3A_61 = tpu.memref_slice %arg4[%dma_start3A_59, %dma_start3A_60] : memref<100000x128xf32, #tpu.memory_space<hbm>> -> memref<100000x128xf32, #tpu.memory_space<hbm>>
    tpu.enqueue_indirect_dma source(%dma_start3A_61 : memref<100000x128xf32, #tpu.memory_space<hbm>>) target(%dma_start3A_55 : memref<72x128xf32, #tpu.memory_space<vmem>>) offsets(%dma_start3A_58 : memref<72xi32, #tpu.memory_space<vmem>>) semaphore(%arg10 : memref<!tpu.dma_semaphore, #tpu.memory_space<semaphore_mem>>)
    %scan3A = arith.constant 0 : i32
    %scan3A_62 = arith.constant 43 : i32
    %scan3A_63 = arith.addi %scan3A, %scan3A_62 : i32
    %scan3A_64 = arith.constant 1 : i32
    scf.for %scan3A_116 = %scan3A to %scan3A_63 step %scan3A_64  : i32 {
      %mul3A_117 = arith.constant 3 : i32
      %mul3A_118 = arith.muli %scan3A_116, %mul3A_117 : i32
      %add3A_119 = arith.constant 0 : i32
      %add3A_120 = arith.addi %add3A_119, %mul3A_118 : i32
      %add3A_121 = arith.constant 0 : i32
      %add3A_122 = arith.addi %add3A_120, %add3A_121 : i32
      %lt3A = arith.constant 128 : i32
      %lt3A_123 = arith.cmpi slt, %add3A_122, %lt3A : i32
      %convert_element_type3A = arith.extui %lt3A_123 : i1 to i32
      %cond3A = arith.constant 0 : i32
      %cond3A_124 = arith.cmpi ne, %convert_element_type3A, %cond3A : i32
      scf.if %cond3A_124 {
        %ge3A = arith.constant 1 : i32
        %ge3A_139 = arith.cmpi sge, %add3A_122, %ge3A : i32
        %add3A_140 = arith.constant 2 : i32
        %add3A_141 = arith.addi %add3A_122, %add3A_140 : i32
        %lt3A_142 = arith.constant 128 : i32
        %lt3A_143 = arith.cmpi slt, %add3A_141, %lt3A_142 : i32
        %and3A = arith.andi %ge3A_139, %lt3A_143 : i1
        %convert_element_type3A_144 = arith.extui %and3A : i1 to i32
        %cond3A_145 = arith.constant 0 : i32
        %cond3A_146 = arith.cmpi ne, %convert_element_type3A_144, %cond3A_145 : i32
        scf.if %cond3A_146 {
          %mul3A_187 = arith.constant 1 : i32
          %mul3A_188 = arith.muli %add3A_122, %mul3A_187 : i32
          %add3A_189 = arith.addi %mul3A_2, %mul3A_188 : i32
          %mul3A_190 = arith.constant 200 : i32
          %mul3A_191 = arith.muli %add3A_189, %mul3A_190 : i32
          %dma_wait3A_192 = arith.constant 2 : i32
          %dma_wait3A_193 = arith.constant 0 : i32
          %dma_wait3A_194 = arith.constant 0 : i32
          %dma_wait3A_195 = tpu.memref_slice %arg8[%dma_wait3A_192, %dma_wait3A_193, %dma_wait3A_194] : memref<3x200x128xf32, #tpu.memory_space<vmem>> -> memref<1x200x128xf32, #tpu.memory_space<vmem>>
          %dma_wait3A_196 = tpu.memref_squeeze %dma_wait3A_195 : memref<1x200x128xf32, #tpu.memory_space<vmem>> -> memref<200x128xf32, #tpu.memory_space<vmem>>
          %dma_wait3A_197 = arith.constant 0 : i32
          %dma_wait3A_198 = tpu.memref_slice %arg5[%mul3A_191, %dma_wait3A_197] : memref<819200x128xf32, #tpu.memory_space<hbm>> -> memref<200x128xf32, #tpu.memory_space<hbm>>
          %dma_wait3A_199 = arith.constant 0 : i32
          %dma_wait3A_200 = tpu.memref_slice %arg5[%mul3A_191, %dma_wait3A_199] : memref<819200x128xf32, #tpu.memory_space<hbm>> -> memref<200x128xf32, #tpu.memory_space<hbm>>
          %dma_wait3A_201 = arith.constant 0 : i32
          %dma_wait3A_202 = arith.constant 0 : i32
          %dma_wait3A_203 = tpu.memref_slice %arg8[%dma_wait3A_192, %dma_wait3A_201, %dma_wait3A_202] : memref<3x200x128xf32, #tpu.memory_space<vmem>> -> memref<1x200x128xf32, #tpu.memory_space<vmem>>
          %dma_wait3A_204 = tpu.memref_squeeze %dma_wait3A_203 : memref<1x200x128xf32, #tpu.memory_space<vmem>> -> memref<200x128xf32, #tpu.memory_space<vmem>>
          tpu.wait_dma2 semaphore(%arg14 : memref<!tpu.dma_semaphore, #tpu.memory_space<semaphore_mem>>) src(%dma_wait3A_204 : memref<200x128xf32, #tpu.memory_space<vmem>>) dst(%dma_wait3A_200 : memref<200x128xf32, #tpu.memory_space<hbm>>)
        } else {
        }
        %add3A_147 = arith.constant 2 : i32
        %add3A_148 = arith.addi %add3A_122, %add3A_147 : i32
        %lt3A_149 = arith.constant 128 : i32
        %lt3A_150 = arith.cmpi slt, %add3A_148, %lt3A_149 : i32
        %convert_element_type3A_151 = arith.extui %lt3A_150 : i1 to i32
        %cond3A_152 = arith.constant 0 : i32
        %cond3A_153 = arith.cmpi ne, %convert_element_type3A_151, %cond3A_152 : i32
        scf.if %cond3A_153 {
          %add3A_187 = arith.constant 2 : i32
          %add3A_188 = arith.addi %add3A_122, %add3A_187 : i32
          %mul3A_189 = arith.constant 1 : i32
          %mul3A_190 = arith.muli %add3A_188, %mul3A_189 : i32
          %add3A_191 = arith.constant 0 : i32
          %add3A_192 = arith.addi %mul3A_190, %add3A_191 : i32
          %dma_start3A_193 = arith.constant 2 : i32
          %dma_start3A_194 = arith.constant 0 : i32
          %dma_start3A_195 = arith.constant 0 : i32
          %dma_start3A_196 = tpu.memref_slice %arg8[%dma_start3A_193, %dma_start3A_194, %dma_start3A_195] : memref<3x200x128xf32, #tpu.memory_space<vmem>> -> memref<1x200x128xf32, #tpu.memory_space<vmem>>
          %dma_start3A_197 = tpu.memref_squeeze %dma_start3A_196 : memref<1x200x128xf32, #tpu.memory_space<vmem>> -> memref<200x128xf32, #tpu.memory_space<vmem>>
          %dma_start3A_198 = arith.constant 0 : i32
          %dma_start3A_199 = arith.constant 0 : i32
          %dma_start3A_200 = tpu.memref_slice %dma_start3A_197[%dma_start3A_198, %dma_start3A_199] : memref<200x128xf32, #tpu.memory_space<vmem>> -> memref<128x128xf32, #tpu.memory_space<vmem>>
          %dma_start3A_201 = arith.constant 0 : i32
          %dma_start3A_202 = tpu.memref_slice %arg6[%add3A_192, %dma_start3A_201] : memref<128x128xi32, #tpu.memory_space<vmem>> -> memref<1x128xi32, #tpu.memory_space<vmem>>
          %dma_start3A_203 = tpu.memref_squeeze %dma_start3A_202 : memref<1x128xi32, #tpu.memory_space<vmem>> -> memref<128xi32, #tpu.memory_space<vmem>>
          %dma_start3A_204 = arith.constant 0 : i32
          %dma_start3A_205 = arith.constant 0 : i32
          %dma_start3A_206 = tpu.memref_slice %arg4[%dma_start3A_204, %dma_start3A_205] : memref<100000x128xf32, #tpu.memory_space<hbm>> -> memref<100000x128xf32, #tpu.memory_space<hbm>>
          tpu.enqueue_indirect_dma source(%dma_start3A_206 : memref<100000x128xf32, #tpu.memory_space<hbm>>) target(%dma_start3A_200 : memref<128x128xf32, #tpu.memory_space<vmem>>) offsets(%dma_start3A_203 : memref<128xi32, #tpu.memory_space<vmem>>) semaphore(%arg11 : memref<!tpu.dma_semaphore, #tpu.memory_space<semaphore_mem>>)
          %dma_start3A_207 = arith.constant 2 : i32
          %dma_start3A_208 = arith.constant 0 : i32
          %dma_start3A_209 = arith.constant 0 : i32
          %dma_start3A_210 = tpu.memref_slice %arg8[%dma_start3A_207, %dma_start3A_208, %dma_start3A_209] : memref<3x200x128xf32, #tpu.memory_space<vmem>> -> memref<1x200x128xf32, #tpu.memory_space<vmem>>
          %dma_start3A_211 = tpu.memref_squeeze %dma_start3A_210 : memref<1x200x128xf32, #tpu.memory_space<vmem>> -> memref<200x128xf32, #tpu.memory_space<vmem>>
          %dma_start3A_212 = arith.constant 128 : i32
          %dma_start3A_213 = arith.constant 0 : i32
          %dma_start3A_214 = tpu.memref_slice %dma_start3A_211[%dma_start3A_212, %dma_start3A_213] : memref<200x128xf32, #tpu.memory_space<vmem>> -> memref<72x128xf32, #tpu.memory_space<vmem>>
          %dma_start3A_215 = arith.constant 0 : i32
          %dma_start3A_216 = tpu.memref_slice %arg7[%add3A_192, %dma_start3A_215] : memref<128x128xi32, #tpu.memory_space<vmem>> -> memref<1x72xi32, #tpu.memory_space<vmem>>
          %dma_start3A_217 = tpu.memref_squeeze %dma_start3A_216 : memref<1x72xi32, #tpu.memory_space<vmem>> -> memref<72xi32, #tpu.memory_space<vmem>>
          %dma_start3A_218 = arith.constant 0 : i32
          %dma_start3A_219 = arith.constant 0 : i32
          %dma_start3A_220 = tpu.memref_slice %arg4[%dma_start3A_218, %dma_start3A_219] : memref<100000x128xf32, #tpu.memory_space<hbm>> -> memref<100000x128xf32, #tpu.memory_space<hbm>>
          tpu.enqueue_indirect_dma source(%dma_start3A_220 : memref<100000x128xf32, #tpu.memory_space<hbm>>) target(%dma_start3A_214 : memref<72x128xf32, #tpu.memory_space<vmem>>) offsets(%dma_start3A_217 : memref<72xi32, #tpu.memory_space<vmem>>) semaphore(%arg11 : memref<!tpu.dma_semaphore, #tpu.memory_space<semaphore_mem>>)
        } else {
        }
        %dma_wait3A_154 = arith.constant 0 : i32
        %dma_wait3A_155 = arith.constant 0 : i32
        %dma_wait3A_156 = arith.constant 0 : i32
        %dma_wait3A_157 = tpu.memref_slice %arg8[%dma_wait3A_154, %dma_wait3A_155, %dma_wait3A_156] : memref<3x200x128xf32, #tpu.memory_space<vmem>> -> memref<1x200x128xf32, #tpu.memory_space<vmem>>
        %dma_wait3A_158 = tpu.memref_squeeze %dma_wait3A_157 : memref<1x200x128xf32, #tpu.memory_space<vmem>> -> memref<200x128xf32, #tpu.memory_space<vmem>>
        %dma_wait3A_159 = arith.constant 0 : i32
        %dma_wait3A_160 = arith.constant 0 : i32
        %dma_wait3A_161 = tpu.memref_slice %arg4[%dma_wait3A_159, %dma_wait3A_160] : memref<100000x128xf32, #tpu.memory_space<hbm>> -> memref<200x128xf32, #tpu.memory_space<hbm>>
        %dma_wait3A_162 = arith.constant 0 : i32
        %dma_wait3A_163 = arith.constant 0 : i32
        %dma_wait3A_164 = tpu.memref_slice %arg8[%dma_wait3A_154, %dma_wait3A_162, %dma_wait3A_163] : memref<3x200x128xf32, #tpu.memory_space<vmem>> -> memref<1x200x128xf32, #tpu.memory_space<vmem>>
        %dma_wait3A_165 = tpu.memref_squeeze %dma_wait3A_164 : memref<1x200x128xf32, #tpu.memory_space<vmem>> -> memref<200x128xf32, #tpu.memory_space<vmem>>
        %dma_wait3A_166 = arith.constant 0 : i32
        %dma_wait3A_167 = arith.constant 0 : i32
        %dma_wait3A_168 = tpu.memref_slice %arg4[%dma_wait3A_166, %dma_wait3A_167] : memref<100000x128xf32, #tpu.memory_space<hbm>> -> memref<200x128xf32, #tpu.memory_space<hbm>>
        tpu.wait_dma2 semaphore(%arg9 : memref<!tpu.dma_semaphore, #tpu.memory_space<semaphore_mem>>) src(%dma_wait3A_168 : memref<200x128xf32, #tpu.memory_space<hbm>>) dst(%dma_wait3A_165 : memref<200x128xf32, #tpu.memory_space<vmem>>)
        %mul3A_169 = arith.constant 1 : i32
        %mul3A_170 = arith.muli %add3A_122, %mul3A_169 : i32
        %add3A_171 = arith.addi %mul3A_2, %mul3A_170 : i32
        %mul3A_172 = arith.constant 200 : i32
        %mul3A_173 = arith.muli %add3A_171, %mul3A_172 : i32
        %dma_start3A_174 = arith.constant 0 : i32
        %dma_start3A_175 = arith.constant 0 : i32
        %dma_start3A_176 = arith.constant 0 : i32
        %dma_start3A_177 = tpu.memref_slice %arg8[%dma_start3A_174, %dma_start3A_175, %dma_start3A_176] : memref<3x200x128xf32, #tpu.memory_space<vmem>> -> memref<1x200x128xf32, #tpu.memory_space<vmem>>
        %dma_start3A_178 = tpu.memref_squeeze %dma_start3A_177 : memref<1x200x128xf32, #tpu.memory_space<vmem>> -> memref<200x128xf32, #tpu.memory_space<vmem>>
        %dma_start3A_179 = arith.constant 0 : i32
        %dma_start3A_180 = tpu.memref_slice %arg5[%mul3A_173, %dma_start3A_179] : memref<819200x128xf32, #tpu.memory_space<hbm>> -> memref<200x128xf32, #tpu.memory_space<hbm>>
        %dma_start3A_181 = arith.constant 0 : i32
        %dma_start3A_182 = tpu.memref_slice %arg5[%mul3A_173, %dma_start3A_181] : memref<819200x128xf32, #tpu.memory_space<hbm>> -> memref<200x128xf32, #tpu.memory_space<hbm>>
        %dma_start3A_183 = arith.constant 0 : i32
        %dma_start3A_184 = arith.constant 0 : i32
        %dma_start3A_185 = tpu.memref_slice %arg8[%dma_start3A_174, %dma_start3A_183, %dma_start3A_184] : memref<3x200x128xf32, #tpu.memory_space<vmem>> -> memref<1x200x128xf32, #tpu.memory_space<vmem>>
        %dma_start3A_186 = tpu.memref_squeeze %dma_start3A_185 : memref<1x200x128xf32, #tpu.memory_space<vmem>> -> memref<200x128xf32, #tpu.memory_space<vmem>>
        tpu.enqueue_dma source(%dma_start3A_186 : memref<200x128xf32, #tpu.memory_space<vmem>>) target(%dma_start3A_182 : memref<200x128xf32, #tpu.memory_space<hbm>>) target_semaphore(%arg12 : memref<!tpu.dma_semaphore, #tpu.memory_space<semaphore_mem>>)
      } else {
      }
      %add3A_125 = arith.constant 1 : i32
      %add3A_126 = arith.addi %add3A_120, %add3A_125 : i32
      %lt3A_127 = arith.constant 128 : i32
      %lt3A_128 = arith.cmpi slt, %add3A_126, %lt3A_127 : i32
      %convert_element_type3A_129 = arith.extui %lt3A_128 : i1 to i32
      %cond3A_130 = arith.constant 0 : i32
      %cond3A_131 = arith.cmpi ne, %convert_element_type3A_129, %cond3A_130 : i32
      scf.if %cond3A_131 {
        %ge3A = arith.constant 1 : i32
        %ge3A_139 = arith.cmpi sge, %add3A_126, %ge3A : i32
        %add3A_140 = arith.constant 2 : i32
        %add3A_141 = arith.addi %add3A_126, %add3A_140 : i32
        %lt3A_142 = arith.constant 128 : i32
        %lt3A_143 = arith.cmpi slt, %add3A_141, %lt3A_142 : i32
        %and3A = arith.andi %ge3A_139, %lt3A_143 : i1
        %convert_element_type3A_144 = arith.extui %and3A : i1 to i32
        %cond3A_145 = arith.constant 0 : i32
        %cond3A_146 = arith.cmpi ne, %convert_element_type3A_144, %cond3A_145 : i32
        scf.if %cond3A_146 {
          %mul3A_187 = arith.constant 1 : i32
          %mul3A_188 = arith.muli %add3A_126, %mul3A_187 : i32
          %add3A_189 = arith.addi %mul3A_2, %mul3A_188 : i32
          %mul3A_190 = arith.constant 200 : i32
          %mul3A_191 = arith.muli %add3A_189, %mul3A_190 : i32
          %dma_wait3A_192 = arith.constant 0 : i32
          %dma_wait3A_193 = arith.constant 0 : i32
          %dma_wait3A_194 = arith.constant 0 : i32
          %dma_wait3A_195 = tpu.memref_slice %arg8[%dma_wait3A_192, %dma_wait3A_193, %dma_wait3A_194] : memref<3x200x128xf32, #tpu.memory_space<vmem>> -> memref<1x200x128xf32, #tpu.memory_space<vmem>>
          %dma_wait3A_196 = tpu.memref_squeeze %dma_wait3A_195 : memref<1x200x128xf32, #tpu.memory_space<vmem>> -> memref<200x128xf32, #tpu.memory_space<vmem>>
          %dma_wait3A_197 = arith.constant 0 : i32
          %dma_wait3A_198 = tpu.memref_slice %arg5[%mul3A_191, %dma_wait3A_197] : memref<819200x128xf32, #tpu.memory_space<hbm>> -> memref<200x128xf32, #tpu.memory_space<hbm>>
          %dma_wait3A_199 = arith.constant 0 : i32
          %dma_wait3A_200 = tpu.memref_slice %arg5[%mul3A_191, %dma_wait3A_199] : memref<819200x128xf32, #tpu.memory_space<hbm>> -> memref<200x128xf32, #tpu.memory_space<hbm>>
          %dma_wait3A_201 = arith.constant 0 : i32
          %dma_wait3A_202 = arith.constant 0 : i32
          %dma_wait3A_203 = tpu.memref_slice %arg8[%dma_wait3A_192, %dma_wait3A_201, %dma_wait3A_202] : memref<3x200x128xf32, #tpu.memory_space<vmem>> -> memref<1x200x128xf32, #tpu.memory_space<vmem>>
          %dma_wait3A_204 = tpu.memref_squeeze %dma_wait3A_203 : memref<1x200x128xf32, #tpu.memory_space<vmem>> -> memref<200x128xf32, #tpu.memory_space<vmem>>
          tpu.wait_dma2 semaphore(%arg12 : memref<!tpu.dma_semaphore, #tpu.memory_space<semaphore_mem>>) src(%dma_wait3A_204 : memref<200x128xf32, #tpu.memory_space<vmem>>) dst(%dma_wait3A_200 : memref<200x128xf32, #tpu.memory_space<hbm>>)
        } else {
        }
        %add3A_147 = arith.constant 2 : i32
        %add3A_148 = arith.addi %add3A_126, %add3A_147 : i32
        %lt3A_149 = arith.constant 128 : i32
        %lt3A_150 = arith.cmpi slt, %add3A_148, %lt3A_149 : i32
        %convert_element_type3A_151 = arith.extui %lt3A_150 : i1 to i32
        %cond3A_152 = arith.constant 0 : i32
        %cond3A_153 = arith.cmpi ne, %convert_element_type3A_151, %cond3A_152 : i32
        scf.if %cond3A_153 {
          %add3A_187 = arith.constant 2 : i32
          %add3A_188 = arith.addi %add3A_126, %add3A_187 : i32
          %mul3A_189 = arith.constant 1 : i32
          %mul3A_190 = arith.muli %add3A_188, %mul3A_189 : i32
          %add3A_191 = arith.constant 0 : i32
          %add3A_192 = arith.addi %mul3A_190, %add3A_191 : i32
          %dma_start3A_193 = arith.constant 0 : i32
          %dma_start3A_194 = arith.constant 0 : i32
          %dma_start3A_195 = arith.constant 0 : i32
          %dma_start3A_196 = tpu.memref_slice %arg8[%dma_start3A_193, %dma_start3A_194, %dma_start3A_195] : memref<3x200x128xf32, #tpu.memory_space<vmem>> -> memref<1x200x128xf32, #tpu.memory_space<vmem>>
          %dma_start3A_197 = tpu.memref_squeeze %dma_start3A_196 : memref<1x200x128xf32, #tpu.memory_space<vmem>> -> memref<200x128xf32, #tpu.memory_space<vmem>>
          %dma_start3A_198 = arith.constant 0 : i32
          %dma_start3A_199 = arith.constant 0 : i32
          %dma_start3A_200 = tpu.memref_slice %dma_start3A_197[%dma_start3A_198, %dma_start3A_199] : memref<200x128xf32, #tpu.memory_space<vmem>> -> memref<128x128xf32, #tpu.memory_space<vmem>>
          %dma_start3A_201 = arith.constant 0 : i32
          %dma_start3A_202 = tpu.memref_slice %arg6[%add3A_192, %dma_start3A_201] : memref<128x128xi32, #tpu.memory_space<vmem>> -> memref<1x128xi32, #tpu.memory_space<vmem>>
          %dma_start3A_203 = tpu.memref_squeeze %dma_start3A_202 : memref<1x128xi32, #tpu.memory_space<vmem>> -> memref<128xi32, #tpu.memory_space<vmem>>
          %dma_start3A_204 = arith.constant 0 : i32
          %dma_start3A_205 = arith.constant 0 : i32
          %dma_start3A_206 = tpu.memref_slice %arg4[%dma_start3A_204, %dma_start3A_205] : memref<100000x128xf32, #tpu.memory_space<hbm>> -> memref<100000x128xf32, #tpu.memory_space<hbm>>
          tpu.enqueue_indirect_dma source(%dma_start3A_206 : memref<100000x128xf32, #tpu.memory_space<hbm>>) target(%dma_start3A_200 : memref<128x128xf32, #tpu.memory_space<vmem>>) offsets(%dma_start3A_203 : memref<128xi32, #tpu.memory_space<vmem>>) semaphore(%arg9 : memref<!tpu.dma_semaphore, #tpu.memory_space<semaphore_mem>>)
          %dma_start3A_207 = arith.constant 0 : i32
          %dma_start3A_208 = arith.constant 0 : i32
          %dma_start3A_209 = arith.constant 0 : i32
          %dma_start3A_210 = tpu.memref_slice %arg8[%dma_start3A_207, %dma_start3A_208, %dma_start3A_209] : memref<3x200x128xf32, #tpu.memory_space<vmem>> -> memref<1x200x128xf32, #tpu.memory_space<vmem>>
          %dma_start3A_211 = tpu.memref_squeeze %dma_start3A_210 : memref<1x200x128xf32, #tpu.memory_space<vmem>> -> memref<200x128xf32, #tpu.memory_space<vmem>>
          %dma_start3A_212 = arith.constant 128 : i32
          %dma_start3A_213 = arith.constant 0 : i32
          %dma_start3A_214 = tpu.memref_slice %dma_start3A_211[%dma_start3A_212, %dma_start3A_213] : memref<200x128xf32, #tpu.memory_space<vmem>> -> memref<72x128xf32, #tpu.memory_space<vmem>>
          %dma_start3A_215 = arith.constant 0 : i32
          %dma_start3A_216 = tpu.memref_slice %arg7[%add3A_192, %dma_start3A_215] : memref<128x128xi32, #tpu.memory_space<vmem>> -> memref<1x72xi32, #tpu.memory_space<vmem>>
          %dma_start3A_217 = tpu.memref_squeeze %dma_start3A_216 : memref<1x72xi32, #tpu.memory_space<vmem>> -> memref<72xi32, #tpu.memory_space<vmem>>
          %dma_start3A_218 = arith.constant 0 : i32
          %dma_start3A_219 = arith.constant 0 : i32
          %dma_start3A_220 = tpu.memref_slice %arg4[%dma_start3A_218, %dma_start3A_219] : memref<100000x128xf32, #tpu.memory_space<hbm>> -> memref<100000x128xf32, #tpu.memory_space<hbm>>
          tpu.enqueue_indirect_dma source(%dma_start3A_220 : memref<100000x128xf32, #tpu.memory_space<hbm>>) target(%dma_start3A_214 : memref<72x128xf32, #tpu.memory_space<vmem>>) offsets(%dma_start3A_217 : memref<72xi32, #tpu.memory_space<vmem>>) semaphore(%arg9 : memref<!tpu.dma_semaphore, #tpu.memory_space<semaphore_mem>>)
        } else {
        }
        %dma_wait3A_154 = arith.constant 1 : i32
        %dma_wait3A_155 = arith.constant 0 : i32
        %dma_wait3A_156 = arith.constant 0 : i32
        %dma_wait3A_157 = tpu.memref_slice %arg8[%dma_wait3A_154, %dma_wait3A_155, %dma_wait3A_156] : memref<3x200x128xf32, #tpu.memory_space<vmem>> -> memref<1x200x128xf32, #tpu.memory_space<vmem>>
        %dma_wait3A_158 = tpu.memref_squeeze %dma_wait3A_157 : memref<1x200x128xf32, #tpu.memory_space<vmem>> -> memref<200x128xf32, #tpu.memory_space<vmem>>
        %dma_wait3A_159 = arith.constant 0 : i32
        %dma_wait3A_160 = arith.constant 0 : i32
        %dma_wait3A_161 = tpu.memref_slice %arg4[%dma_wait3A_159, %dma_wait3A_160] : memref<100000x128xf32, #tpu.memory_space<hbm>> -> memref<200x128xf32, #tpu.memory_space<hbm>>
        %dma_wait3A_162 = arith.constant 0 : i32
        %dma_wait3A_163 = arith.constant 0 : i32
        %dma_wait3A_164 = tpu.memref_slice %arg8[%dma_wait3A_154, %dma_wait3A_162, %dma_wait3A_163] : memref<3x200x128xf32, #tpu.memory_space<vmem>> -> memref<1x200x128xf32, #tpu.memory_space<vmem>>
        %dma_wait3A_165 = tpu.memref_squeeze %dma_wait3A_164 : memref<1x200x128xf32, #tpu.memory_space<vmem>> -> memref<200x128xf32, #tpu.memory_space<vmem>>
        %dma_wait3A_166 = arith.constant 0 : i32
        %dma_wait3A_167 = arith.constant 0 : i32
        %dma_wait3A_168 = tpu.memref_slice %arg4[%dma_wait3A_166, %dma_wait3A_167] : memref<100000x128xf32, #tpu.memory_space<hbm>> -> memref<200x128xf32, #tpu.memory_space<hbm>>
        tpu.wait_dma2 semaphore(%arg10 : memref<!tpu.dma_semaphore, #tpu.memory_space<semaphore_mem>>) src(%dma_wait3A_168 : memref<200x128xf32, #tpu.memory_space<hbm>>) dst(%dma_wait3A_165 : memref<200x128xf32, #tpu.memory_space<vmem>>)
        %mul3A_169 = arith.constant 1 : i32
        %mul3A_170 = arith.muli %add3A_126, %mul3A_169 : i32
        %add3A_171 = arith.addi %mul3A_2, %mul3A_170 : i32
        %mul3A_172 = arith.constant 200 : i32
        %mul3A_173 = arith.muli %add3A_171, %mul3A_172 : i32
        %dma_start3A_174 = arith.constant 1 : i32
        %dma_start3A_175 = arith.constant 0 : i32
        %dma_start3A_176 = arith.constant 0 : i32
        %dma_start3A_177 = tpu.memref_slice %arg8[%dma_start3A_174, %dma_start3A_175, %dma_start3A_176] : memref<3x200x128xf32, #tpu.memory_space<vmem>> -> memref<1x200x128xf32, #tpu.memory_space<vmem>>
        %dma_start3A_178 = tpu.memref_squeeze %dma_start3A_177 : memref<1x200x128xf32, #tpu.memory_space<vmem>> -> memref<200x128xf32, #tpu.memory_space<vmem>>
        %dma_start3A_179 = arith.constant 0 : i32
        %dma_start3A_180 = tpu.memref_slice %arg5[%mul3A_173, %dma_start3A_179] : memref<819200x128xf32, #tpu.memory_space<hbm>> -> memref<200x128xf32, #tpu.memory_space<hbm>>
        %dma_start3A_181 = arith.constant 0 : i32
        %dma_start3A_182 = tpu.memref_slice %arg5[%mul3A_173, %dma_start3A_181] : memref<819200x128xf32, #tpu.memory_space<hbm>> -> memref<200x128xf32, #tpu.memory_space<hbm>>
        %dma_start3A_183 = arith.constant 0 : i32
        %dma_start3A_184 = arith.constant 0 : i32
        %dma_start3A_185 = tpu.memref_slice %arg8[%dma_start3A_174, %dma_start3A_183, %dma_start3A_184] : memref<3x200x128xf32, #tpu.memory_space<vmem>> -> memref<1x200x128xf32, #tpu.memory_space<vmem>>
        %dma_start3A_186 = tpu.memref_squeeze %dma_start3A_185 : memref<1x200x128xf32, #tpu.memory_space<vmem>> -> memref<200x128xf32, #tpu.memory_space<vmem>>
        tpu.enqueue_dma source(%dma_start3A_186 : memref<200x128xf32, #tpu.memory_space<vmem>>) target(%dma_start3A_182 : memref<200x128xf32, #tpu.memory_space<hbm>>) target_semaphore(%arg13 : memref<!tpu.dma_semaphore, #tpu.memory_space<semaphore_mem>>)
      } else {
      }
      %add3A_132 = arith.constant 2 : i32
      %add3A_133 = arith.addi %add3A_120, %add3A_132 : i32
      %lt3A_134 = arith.constant 128 : i32
      %lt3A_135 = arith.cmpi slt, %add3A_133, %lt3A_134 : i32
      %convert_element_type3A_136 = arith.extui %lt3A_135 : i1 to i32
      %cond3A_137 = arith.constant 0 : i32
      %cond3A_138 = arith.cmpi ne, %convert_element_type3A_136, %cond3A_137 : i32
      scf.if %cond3A_138 {
        %ge3A = arith.constant 1 : i32
        %ge3A_139 = arith.cmpi sge, %add3A_133, %ge3A : i32
        %add3A_140 = arith.constant 2 : i32
        %add3A_141 = arith.addi %add3A_133, %add3A_140 : i32
        %lt3A_142 = arith.constant 128 : i32
        %lt3A_143 = arith.cmpi slt, %add3A_141, %lt3A_142 : i32
        %and3A = arith.andi %ge3A_139, %lt3A_143 : i1
        %convert_element_type3A_144 = arith.extui %and3A : i1 to i32
        %cond3A_145 = arith.constant 0 : i32
        %cond3A_146 = arith.cmpi ne, %convert_element_type3A_144, %cond3A_145 : i32
        scf.if %cond3A_146 {
          %mul3A_187 = arith.constant 1 : i32
          %mul3A_188 = arith.muli %add3A_133, %mul3A_187 : i32
          %add3A_189 = arith.addi %mul3A_2, %mul3A_188 : i32
          %mul3A_190 = arith.constant 200 : i32
          %mul3A_191 = arith.muli %add3A_189, %mul3A_190 : i32
          %dma_wait3A_192 = arith.constant 1 : i32
          %dma_wait3A_193 = arith.constant 0 : i32
          %dma_wait3A_194 = arith.constant 0 : i32
          %dma_wait3A_195 = tpu.memref_slice %arg8[%dma_wait3A_192, %dma_wait3A_193, %dma_wait3A_194] : memref<3x200x128xf32, #tpu.memory_space<vmem>> -> memref<1x200x128xf32, #tpu.memory_space<vmem>>
          %dma_wait3A_196 = tpu.memref_squeeze %dma_wait3A_195 : memref<1x200x128xf32, #tpu.memory_space<vmem>> -> memref<200x128xf32, #tpu.memory_space<vmem>>
          %dma_wait3A_197 = arith.constant 0 : i32
          %dma_wait3A_198 = tpu.memref_slice %arg5[%mul3A_191, %dma_wait3A_197] : memref<819200x128xf32, #tpu.memory_space<hbm>> -> memref<200x128xf32, #tpu.memory_space<hbm>>
          %dma_wait3A_199 = arith.constant 0 : i32
          %dma_wait3A_200 = tpu.memref_slice %arg5[%mul3A_191, %dma_wait3A_199] : memref<819200x128xf32, #tpu.memory_space<hbm>> -> memref<200x128xf32, #tpu.memory_space<hbm>>
          %dma_wait3A_201 = arith.constant 0 : i32
          %dma_wait3A_202 = arith.constant 0 : i32
          %dma_wait3A_203 = tpu.memref_slice %arg8[%dma_wait3A_192, %dma_wait3A_201, %dma_wait3A_202] : memref<3x200x128xf32, #tpu.memory_space<vmem>> -> memref<1x200x128xf32, #tpu.memory_space<vmem>>
          %dma_wait3A_204 = tpu.memref_squeeze %dma_wait3A_203 : memref<1x200x128xf32, #tpu.memory_space<vmem>> -> memref<200x128xf32, #tpu.memory_space<vmem>>
          tpu.wait_dma2 semaphore(%arg13 : memref<!tpu.dma_semaphore, #tpu.memory_space<semaphore_mem>>) src(%dma_wait3A_204 : memref<200x128xf32, #tpu.memory_space<vmem>>) dst(%dma_wait3A_200 : memref<200x128xf32, #tpu.memory_space<hbm>>)
        } else {
        }
        %add3A_147 = arith.constant 2 : i32
        %add3A_148 = arith.addi %add3A_133, %add3A_147 : i32
        %lt3A_149 = arith.constant 128 : i32
        %lt3A_150 = arith.cmpi slt, %add3A_148, %lt3A_149 : i32
        %convert_element_type3A_151 = arith.extui %lt3A_150 : i1 to i32
        %cond3A_152 = arith.constant 0 : i32
        %cond3A_153 = arith.cmpi ne, %convert_element_type3A_151, %cond3A_152 : i32
        scf.if %cond3A_153 {
          %add3A_187 = arith.constant 2 : i32
          %add3A_188 = arith.addi %add3A_133, %add3A_187 : i32
          %mul3A_189 = arith.constant 1 : i32
          %mul3A_190 = arith.muli %add3A_188, %mul3A_189 : i32
          %add3A_191 = arith.constant 0 : i32
          %add3A_192 = arith.addi %mul3A_190, %add3A_191 : i32
          %dma_start3A_193 = arith.constant 1 : i32
          %dma_start3A_194 = arith.constant 0 : i32
          %dma_start3A_195 = arith.constant 0 : i32
          %dma_start3A_196 = tpu.memref_slice %arg8[%dma_start3A_193, %dma_start3A_194, %dma_start3A_195] : memref<3x200x128xf32, #tpu.memory_space<vmem>> -> memref<1x200x128xf32, #tpu.memory_space<vmem>>
          %dma_start3A_197 = tpu.memref_squeeze %dma_start3A_196 : memref<1x200x128xf32, #tpu.memory_space<vmem>> -> memref<200x128xf32, #tpu.memory_space<vmem>>
          %dma_start3A_198 = arith.constant 0 : i32
          %dma_start3A_199 = arith.constant 0 : i32
          %dma_start3A_200 = tpu.memref_slice %dma_start3A_197[%dma_start3A_198, %dma_start3A_199] : memref<200x128xf32, #tpu.memory_space<vmem>> -> memref<128x128xf32, #tpu.memory_space<vmem>>
          %dma_start3A_201 = arith.constant 0 : i32
          %dma_start3A_202 = tpu.memref_slice %arg6[%add3A_192, %dma_start3A_201] : memref<128x128xi32, #tpu.memory_space<vmem>> -> memref<1x128xi32, #tpu.memory_space<vmem>>
          %dma_start3A_203 = tpu.memref_squeeze %dma_start3A_202 : memref<1x128xi32, #tpu.memory_space<vmem>> -> memref<128xi32, #tpu.memory_space<vmem>>
          %dma_start3A_204 = arith.constant 0 : i32
          %dma_start3A_205 = arith.constant 0 : i32
          %dma_start3A_206 = tpu.memref_slice %arg4[%dma_start3A_204, %dma_start3A_205] : memref<100000x128xf32, #tpu.memory_space<hbm>> -> memref<100000x128xf32, #tpu.memory_space<hbm>>
          tpu.enqueue_indirect_dma source(%dma_start3A_206 : memref<100000x128xf32, #tpu.memory_space<hbm>>) target(%dma_start3A_200 : memref<128x128xf32, #tpu.memory_space<vmem>>) offsets(%dma_start3A_203 : memref<128xi32, #tpu.memory_space<vmem>>) semaphore(%arg10 : memref<!tpu.dma_semaphore, #tpu.memory_space<semaphore_mem>>)
          %dma_start3A_207 = arith.constant 1 : i32
          %dma_start3A_208 = arith.constant 0 : i32
          %dma_start3A_209 = arith.constant 0 : i32
          %dma_start3A_210 = tpu.memref_slice %arg8[%dma_start3A_207, %dma_start3A_208, %dma_start3A_209] : memref<3x200x128xf32, #tpu.memory_space<vmem>> -> memref<1x200x128xf32, #tpu.memory_space<vmem>>
          %dma_start3A_211 = tpu.memref_squeeze %dma_start3A_210 : memref<1x200x128xf32, #tpu.memory_space<vmem>> -> memref<200x128xf32, #tpu.memory_space<vmem>>
          %dma_start3A_212 = arith.constant 128 : i32
          %dma_start3A_213 = arith.constant 0 : i32
          %dma_start3A_214 = tpu.memref_slice %dma_start3A_211[%dma_start3A_212, %dma_start3A_213] : memref<200x128xf32, #tpu.memory_space<vmem>> -> memref<72x128xf32, #tpu.memory_space<vmem>>
          %dma_start3A_215 = arith.constant 0 : i32
          %dma_start3A_216 = tpu.memref_slice %arg7[%add3A_192, %dma_start3A_215] : memref<128x128xi32, #tpu.memory_space<vmem>> -> memref<1x72xi32, #tpu.memory_space<vmem>>
          %dma_start3A_217 = tpu.memref_squeeze %dma_start3A_216 : memref<1x72xi32, #tpu.memory_space<vmem>> -> memref<72xi32, #tpu.memory_space<vmem>>
          %dma_start3A_218 = arith.constant 0 : i32
          %dma_start3A_219 = arith.constant 0 : i32
          %dma_start3A_220 = tpu.memref_slice %arg4[%dma_start3A_218, %dma_start3A_219] : memref<100000x128xf32, #tpu.memory_space<hbm>> -> memref<100000x128xf32, #tpu.memory_space<hbm>>
          tpu.enqueue_indirect_dma source(%dma_start3A_220 : memref<100000x128xf32, #tpu.memory_space<hbm>>) target(%dma_start3A_214 : memref<72x128xf32, #tpu.memory_space<vmem>>) offsets(%dma_start3A_217 : memref<72xi32, #tpu.memory_space<vmem>>) semaphore(%arg10 : memref<!tpu.dma_semaphore, #tpu.memory_space<semaphore_mem>>)
        } else {
        }
        %dma_wait3A_154 = arith.constant 2 : i32
        %dma_wait3A_155 = arith.constant 0 : i32
        %dma_wait3A_156 = arith.constant 0 : i32
        %dma_wait3A_157 = tpu.memref_slice %arg8[%dma_wait3A_154, %dma_wait3A_155, %dma_wait3A_156] : memref<3x200x128xf32, #tpu.memory_space<vmem>> -> memref<1x200x128xf32, #tpu.memory_space<vmem>>
        %dma_wait3A_158 = tpu.memref_squeeze %dma_wait3A_157 : memref<1x200x128xf32, #tpu.memory_space<vmem>> -> memref<200x128xf32, #tpu.memory_space<vmem>>
        %dma_wait3A_159 = arith.constant 0 : i32
        %dma_wait3A_160 = arith.constant 0 : i32
        %dma_wait3A_161 = tpu.memref_slice %arg4[%dma_wait3A_159, %dma_wait3A_160] : memref<100000x128xf32, #tpu.memory_space<hbm>> -> memref<200x128xf32, #tpu.memory_space<hbm>>
        %dma_wait3A_162 = arith.constant 0 : i32
        %dma_wait3A_163 = arith.constant 0 : i32
        %dma_wait3A_164 = tpu.memref_slice %arg8[%dma_wait3A_154, %dma_wait3A_162, %dma_wait3A_163] : memref<3x200x128xf32, #tpu.memory_space<vmem>> -> memref<1x200x128xf32, #tpu.memory_space<vmem>>
        %dma_wait3A_165 = tpu.memref_squeeze %dma_wait3A_164 : memref<1x200x128xf32, #tpu.memory_space<vmem>> -> memref<200x128xf32, #tpu.memory_space<vmem>>
        %dma_wait3A_166 = arith.constant 0 : i32
        %dma_wait3A_167 = arith.constant 0 : i32
        %dma_wait3A_168 = tpu.memref_slice %arg4[%dma_wait3A_166, %dma_wait3A_167] : memref<100000x128xf32, #tpu.memory_space<hbm>> -> memref<200x128xf32, #tpu.memory_space<hbm>>
        tpu.wait_dma2 semaphore(%arg11 : memref<!tpu.dma_semaphore, #tpu.memory_space<semaphore_mem>>) src(%dma_wait3A_168 : memref<200x128xf32, #tpu.memory_space<hbm>>) dst(%dma_wait3A_165 : memref<200x128xf32, #tpu.memory_space<vmem>>)
        %mul3A_169 = arith.constant 1 : i32
        %mul3A_170 = arith.muli %add3A_133, %mul3A_169 : i32
        %add3A_171 = arith.addi %mul3A_2, %mul3A_170 : i32
        %mul3A_172 = arith.constant 200 : i32
        %mul3A_173 = arith.muli %add3A_171, %mul3A_172 : i32
        %dma_start3A_174 = arith.constant 2 : i32
        %dma_start3A_175 = arith.constant 0 : i32
        %dma_start3A_176 = arith.constant 0 : i32
        %dma_start3A_177 = tpu.memref_slice %arg8[%dma_start3A_174, %dma_start3A_175, %dma_start3A_176] : memref<3x200x128xf32, #tpu.memory_space<vmem>> -> memref<1x200x128xf32, #tpu.memory_space<vmem>>
        %dma_start3A_178 = tpu.memref_squeeze %dma_start3A_177 : memref<1x200x128xf32, #tpu.memory_space<vmem>> -> memref<200x128xf32, #tpu.memory_space<vmem>>
        %dma_start3A_179 = arith.constant 0 : i32
        %dma_start3A_180 = tpu.memref_slice %arg5[%mul3A_173, %dma_start3A_179] : memref<819200x128xf32, #tpu.memory_space<hbm>> -> memref<200x128xf32, #tpu.memory_space<hbm>>
        %dma_start3A_181 = arith.constant 0 : i32
        %dma_start3A_182 = tpu.memref_slice %arg5[%mul3A_173, %dma_start3A_181] : memref<819200x128xf32, #tpu.memory_space<hbm>> -> memref<200x128xf32, #tpu.memory_space<hbm>>
        %dma_start3A_183 = arith.constant 0 : i32
        %dma_start3A_184 = arith.constant 0 : i32
        %dma_start3A_185 = tpu.memref_slice %arg8[%dma_start3A_174, %dma_start3A_183, %dma_start3A_184] : memref<3x200x128xf32, #tpu.memory_space<vmem>> -> memref<1x200x128xf32, #tpu.memory_space<vmem>>
        %dma_start3A_186 = tpu.memref_squeeze %dma_start3A_185 : memref<1x200x128xf32, #tpu.memory_space<vmem>> -> memref<200x128xf32, #tpu.memory_space<vmem>>
        tpu.enqueue_dma source(%dma_start3A_186 : memref<200x128xf32, #tpu.memory_space<vmem>>) target(%dma_start3A_182 : memref<200x128xf32, #tpu.memory_space<hbm>>) target_semaphore(%arg14 : memref<!tpu.dma_semaphore, #tpu.memory_space<semaphore_mem>>)
      } else {
      }
    }
    %scan3A_65 = arith.constant 43 : i32
    %add3A_66 = arith.constant 125 : i32
    %add3A_67 = arith.addi %mul3A_2, %add3A_66 : i32
    %mul3A_68 = arith.constant 200 : i32
    %mul3A_69 = arith.muli %add3A_67, %mul3A_68 : i32
    %dma_wait3A = arith.constant 2 : i32
    %dma_wait3A_70 = arith.constant 0 : i32
    %dma_wait3A_71 = arith.constant 0 : i32
    %dma_wait3A_72 = tpu.memref_slice %arg8[%dma_wait3A, %dma_wait3A_70, %dma_wait3A_71] : memref<3x200x128xf32, #tpu.memory_space<vmem>> -> memref<1x200x128xf32, #tpu.memory_space<vmem>>
    %dma_wait3A_73 = tpu.memref_squeeze %dma_wait3A_72 : memref<1x200x128xf32, #tpu.memory_space<vmem>> -> memref<200x128xf32, #tpu.memory_space<vmem>>
    %dma_wait3A_74 = arith.constant 0 : i32
    %dma_wait3A_75 = tpu.memref_slice %arg5[%mul3A_69, %dma_wait3A_74] : memref<819200x128xf32, #tpu.memory_space<hbm>> -> memref<200x128xf32, #tpu.memory_space<hbm>>
    %dma_wait3A_76 = arith.constant 0 : i32
    %dma_wait3A_77 = tpu.memref_slice %arg5[%mul3A_69, %dma_wait3A_76] : memref<819200x128xf32, #tpu.memory_space<hbm>> -> memref<200x128xf32, #tpu.memory_space<hbm>>
    %dma_wait3A_78 = arith.constant 0 : i32
    %dma_wait3A_79 = arith.constant 0 : i32
    %dma_wait3A_80 = tpu.memref_slice %arg8[%dma_wait3A, %dma_wait3A_78, %dma_wait3A_79] : memref<3x200x128xf32, #tpu.memory_space<vmem>> -> memref<1x200x128xf32, #tpu.memory_space<vmem>>
    %dma_wait3A_81 = tpu.memref_squeeze %dma_wait3A_80 : memref<1x200x128xf32, #tpu.memory_space<vmem>> -> memref<200x128xf32, #tpu.memory_space<vmem>>
    tpu.wait_dma2 semaphore(%arg14 : memref<!tpu.dma_semaphore, #tpu.memory_space<semaphore_mem>>) src(%dma_wait3A_81 : memref<200x128xf32, #tpu.memory_space<vmem>>) dst(%dma_wait3A_77 : memref<200x128xf32, #tpu.memory_space<hbm>>)
    %add3A_82 = arith.constant 126 : i32
    %add3A_83 = arith.addi %mul3A_2, %add3A_82 : i32
    %mul3A_84 = arith.constant 200 : i32
    %mul3A_85 = arith.muli %add3A_83, %mul3A_84 : i32
    %dma_wait3A_86 = arith.constant 0 : i32
    %dma_wait3A_87 = arith.constant 0 : i32
    %dma_wait3A_88 = arith.constant 0 : i32
    %dma_wait3A_89 = tpu.memref_slice %arg8[%dma_wait3A_86, %dma_wait3A_87, %dma_wait3A_88] : memref<3x200x128xf32, #tpu.memory_space<vmem>> -> memref<1x200x128xf32, #tpu.memory_space<vmem>>
    %dma_wait3A_90 = tpu.memref_squeeze %dma_wait3A_89 : memref<1x200x128xf32, #tpu.memory_space<vmem>> -> memref<200x128xf32, #tpu.memory_space<vmem>>
    %dma_wait3A_91 = arith.constant 0 : i32
    %dma_wait3A_92 = tpu.memref_slice %arg5[%mul3A_85, %dma_wait3A_91] : memref<819200x128xf32, #tpu.memory_space<hbm>> -> memref<200x128xf32, #tpu.memory_space<hbm>>
    %dma_wait3A_93 = arith.constant 0 : i32
    %dma_wait3A_94 = tpu.memref_slice %arg5[%mul3A_85, %dma_wait3A_93] : memref<819200x128xf32, #tpu.memory_space<hbm>> -> memref<200x128xf32, #tpu.memory_space<hbm>>
    %dma_wait3A_95 = arith.constant 0 : i32
    %dma_wait3A_96 = arith.constant 0 : i32
    %dma_wait3A_97 = tpu.memref_slice %arg8[%dma_wait3A_86, %dma_wait3A_95, %dma_wait3A_96] : memref<3x200x128xf32, #tpu.memory_space<vmem>> -> memref<1x200x128xf32, #tpu.memory_space<vmem>>
    %dma_wait3A_98 = tpu.memref_squeeze %dma_wait3A_97 : memref<1x200x128xf32, #tpu.memory_space<vmem>> -> memref<200x128xf32, #tpu.memory_space<vmem>>
    tpu.wait_dma2 semaphore(%arg12 : memref<!tpu.dma_semaphore, #tpu.memory_space<semaphore_mem>>) src(%dma_wait3A_98 : memref<200x128xf32, #tpu.memory_space<vmem>>) dst(%dma_wait3A_94 : memref<200x128xf32, #tpu.memory_space<hbm>>)
    %add3A_99 = arith.constant 127 : i32
    %add3A_100 = arith.addi %mul3A_2, %add3A_99 : i32
    %mul3A_101 = arith.constant 200 : i32
    %mul3A_102 = arith.muli %add3A_100, %mul3A_101 : i32
    %dma_wait3A_103 = arith.constant 1 : i32
    %dma_wait3A_104 = arith.constant 0 : i32
    %dma_wait3A_105 = arith.constant 0 : i32
    %dma_wait3A_106 = tpu.memref_slice %arg8[%dma_wait3A_103, %dma_wait3A_104, %dma_wait3A_105] : memref<3x200x128xf32, #tpu.memory_space<vmem>> -> memref<1x200x128xf32, #tpu.memory_space<vmem>>
    %dma_wait3A_107 = tpu.memref_squeeze %dma_wait3A_106 : memref<1x200x128xf32, #tpu.memory_space<vmem>> -> memref<200x128xf32, #tpu.memory_space<vmem>>
    %dma_wait3A_108 = arith.constant 0 : i32
    %dma_wait3A_109 = tpu.memref_slice %arg5[%mul3A_102, %dma_wait3A_108] : memref<819200x128xf32, #tpu.memory_space<hbm>> -> memref<200x128xf32, #tpu.memory_space<hbm>>
    %dma_wait3A_110 = arith.constant 0 : i32
    %dma_wait3A_111 = tpu.memref_slice %arg5[%mul3A_102, %dma_wait3A_110] : memref<819200x128xf32, #tpu.memory_space<hbm>> -> memref<200x128xf32, #tpu.memory_space<hbm>>
    %dma_wait3A_112 = arith.constant 0 : i32
    %dma_wait3A_113 = arith.constant 0 : i32
    %dma_wait3A_114 = tpu.memref_slice %arg8[%dma_wait3A_103, %dma_wait3A_112, %dma_wait3A_113] : memref<3x200x128xf32, #tpu.memory_space<vmem>> -> memref<1x200x128xf32, #tpu.memory_space<vmem>>
    %dma_wait3A_115 = tpu.memref_squeeze %dma_wait3A_114 : memref<1x200x128xf32, #tpu.memory_space<vmem>> -> memref<200x128xf32, #tpu.memory_space<vmem>>
    tpu.wait_dma2 semaphore(%arg13 : memref<!tpu.dma_semaphore, #tpu.memory_space<semaphore_mem>>) src(%dma_wait3A_115 : memref<200x128xf32, #tpu.memory_space<vmem>>) dst(%dma_wait3A_111 : memref<200x128xf32, #tpu.memory_space<hbm>>)
    return
  }
}

module attributes {stable_mosaic.version = 14 : i64} {
  func.func @_scale_body(%arg0: i32, %arg1: memref<10000x64xf32, #tpu.memory_space<vmem>>, %arg2: memref<10000x128xf32, #tpu.memory_space<vmem>>) attributes {dimension_semantics = [#tpu.dimension_semantics<arbitrary>], iteration_bounds = array<i64: 10>, scalar_prefetch = 0 : i64, scratch_operands = 0 : i64, tpu.core_type = #tpu.core_type<tc>, window_params = [{transform_indices = @transform_0, window_bounds = array<i64: 10000, 64>}, {transform_indices = @transform_1, window_bounds = array<i64: 10000, 128>}]} {
    %get3A = arith.constant 0 : index
    %get3A_0 = arith.constant 0 : index
    %get3A_1 = vector.load %arg1[%get3A, %get3A_0] : memref<10000x64xf32, #tpu.memory_space<vmem>>, vector<10000x64xf32>
    %mul3A = arith.constant 8.000000e+00 : f32
    %mul3A_2 = vector.broadcast %mul3A : f32 to vector<10000x64xf32>
    %mul3A_3 = arith.mulf %get3A_1, %mul3A_2 : vector<10000x64xf32>
    %broadcast_in_dim3A = arith.constant 0.000000e+00 : f32
    %broadcast_in_dim3A_4 = vector.broadcast %broadcast_in_dim3A : f32 to vector<10000x64xf32>
    %concatenate3A = tpu.concatenate %mul3A_3, %broadcast_in_dim3A_4 in 1 : vector<10000x64xf32>, vector<10000x64xf32> -> vector<10000x128xf32>
    %swap3A = arith.constant 0 : index
    %swap3A_5 = arith.constant 0 : index
    %swap3A_6 = vector.load %arg2[%swap3A, %swap3A_5] : memref<10000x128xf32, #tpu.memory_space<vmem>>, vector<10000x128xf32>
    tpu.vector_store %arg2[%swap3A, %swap3A_5], %concatenate3A {strides = array<i32>} : memref<10000x128xf32, #tpu.memory_space<vmem>>, vector<10000x128xf32>,
    return
  }
  func.func @transform_0(%arg0: i32) -> (i32, i32) {
    %c0_i32 = arith.constant 0 : i32
    %c0_i32_0 = arith.constant 0 : i32
    return %arg0, %c0_i32 : i32, i32
  }
  func.func @transform_1(%arg0: i32) -> (i32, i32) {
    %c0_i32 = arith.constant 0 : i32
    %c0_i32_0 = arith.constant 0 : i32
    return %arg0, %c0_i32 : i32, i32
  }
}

</mosaic_0001>

<sc_bundles>
// kernel: kernel.4.cloned.1.call-start
scs
__scs_entry_jumppad:
0x0: {  	(pc) =	sbr.rel $0x88, $3  }
0x1: {  	(tag) =	ssettag $0x0;
	lr =	simm.s32 $0x1  }
0x2: {  	[smem:$0x3F9F] =	sst lr;
	_ =	strace $0xD0000000  }
0x3: {  	_ = 	snop  }
0x4: {  	_ = 	snop  }
0x5: {  	_ = 	snop  }
0x6: {  	_ = 	snop  }
0x7: {  	_ = 	snop  }
__scs_overlays_trampoline_lowered:
0x8: {  	[smem:$0x3FAE] =	sst s0  }
0x9: {  	[smem:$0x3FAF] =	sst s1  }
0xa: {  	[smem:$0x3FB0] =	sst s2  }
0xb: {  	[smem:$0x3FB1] =	sst s3  }
0xc: {  	[smem:$0x3FB2] =	sst s4  }
0xd: {  	[smem:$0x3FB3] =	sst s5  }
0xe: {  	[smem:$0x3FB4] =	sst s6  }
0xf: {  	[smem:$0x3FB5] =	sst s7  }
0x10: {  	[smem:$0x3FB6] =	sst s8  }
0x11: {  	[smem:$0x3FB7] =	sst s9;
	s0 =	simm.s32 @!p0 $0x0  }
0x12: {  	s1 =	sld [smem:$0x3F9D];
	s0 =	simm.s32 @p0 $0x1  }
0x13: {  	[smem:$0x3FB8] =	sst s0;
	s0 =	simm.s32 @!p1 $0x0  }
0x14: {  	s2 =	sld [smem:$0x3F9C];
	s0 =	simm.s32 @p1 $0x1  }
0x15: {  	[smem:$0x3FB9] =	sst s0;
	s0 =	simm.s32 @!p2 $0x0  }
0x16: {  	s3 =	sld [smem:$0x3FDB];
	s0 =	simm.s32 @p2 $0x1  }
0x17: {  	s4 =	simm.s32 $0x1BF5;
	[smem:$0x3FBB] =	sst s0  }
0x18: {  	s0 =	sld [smem:$0x3F9E];
	_ =	swait.ge [sflag:s4], $0x0  }
0x19: {  	s7 =	sld [smem:$0x3F9F]  }
0x1a: {  	s8 =	sadd.s32 $0xFFFFE003, lr  }
0x1b: {  	s9 =	sadd.s32 $0xFFFFFEF7, lr;
	s5 =	simm.s32 $0xFFFFFFFF;
	p2 =	slt.u32 s8, $0xFFFFF086  }
0x1c: {  	p1 =	slt.u32 s9, $0xF7A;
	s5 =	simm.s32 @!p2 $0x0  }
0x1d: {  	s5 =	simm.s32 @p1 $0x1;
	p0 =	seq.s32 s7, s2  }
0x1e: {  	s7 =	smul.u32 @!p0 $0xF7A, s2;
	p2 =	seq.s32 @!p0 s5, $0x0  }
0x1f: {  	s9 =	smul.u32 $0xF7A, s1;
	s8 =	simm.s32 @!p0 $0x1BF5;
	p2 =	por !p2, p0  }
0x20: {  	[sflag:s8] =	ssyncset.s32 @!p0 $0xFFFFF086;
	s6 =	sadd.s32 @!p0 s3, s7;
	s7 =	simm.s32 @!p0 $0x108  }
0x21: {  	s3 =	sadd.s32 s3, s9;
	s6 =	sadd.s32 @!p0 $0x88, s6;
	s7 =	simm.s32 @p2 $0x1082  }
0x22: {  	[simem:s7], [sflag:s8] =	dma.local @!p0 [hbm:s6], $0xF7A  }
0x23: {  	s9 =	sor.u32 $0xD0000000, s2;
	s6 =	simm.s32 $0x108;
	_ =	swait.ge @!p0 [sflag:s8], $0x0  }
0x24: {  	s3 =	sadd.s32 $0x88, s3;
	s6 =	simm.s32 @!p1 $0x1082;
	[sflag:s4] =	ssyncset.s32 $0xFFFFF086  }
0x25: {  	[simem:s6], [sflag:s4] =	dma.local [hbm:s3], $0xF7A  }
0x26: {  	[smem:$0x3F9F] =	sst s1;
	(tag) =	ssettag s2;
	_ =	strace s9  }
0x27: {  	s1 =	sld [smem:$0x3FAF]  }
0x28: {  	s2 =	sld [smem:$0x3FB0]  }
0x29: {  	s4 =	sld [smem:$0x3FB2]  }
0x2a: {  	p0 =	seq.s32 s5, $0x0;
	s5 =	sld [smem:$0x3FB3]  }
0x2b: {  	s6 =	sld [smem:$0x3FB4]  }
0x2c: {  	s7 =	sld [smem:$0x3FB5]  }
0x2d: {  	s3 =	simm.s32 $0x108;
	s8 =	sld [smem:$0x3FB6]  }
0x2e: {  	s3 =	simm.s32 @!p0 $0x1082;
	s9 =	sld [smem:$0x3FB7]  }
0x2f: {  	lr =	sadd.s32 s0, s3;
	s0 =	sld [smem:$0x3FAE]  }
0x30: {  	s3 =	sld [smem:$0x3FB1]  }
0x31: {  	[smem:$0x3FBA] =	sst s10  }
0x32: {  	s10 =	sld [smem:$0x3FB8];
	_ =	sdelay $0x3  }
0x33: {  	p0 =	seq.s32 s10, $0x1;
	s10 =	sld [smem:$0x3FBA];
	_ =	sdelay $0x3  }
0x34: {  	[smem:$0x3FBA] =	sst s10  }
0x35: {  	s10 =	sld [smem:$0x3FB9];
	_ =	sdelay $0x3  }
0x36: {  	p1 =	seq.s32 s10, $0x1;
	s10 =	sld [smem:$0x3FBA];
	_ =	sdelay $0x3  }
0x37: {  	[smem:$0x3FBA] =	sst s10  }
0x38: {  	s10 =	sld [smem:$0x3FBB]  }
0x39: {  	_ = 	snop;
	(pc) =	sbr.ind lr, $3  }
0x3a: {  	_ = 	snop  }
0x3b: {  	_ = 	snop  }
0x3c: {  	p2 =	seq.s32 s10, $0x1;
	s10 =	sld [smem:$0x3FBA]  }
0x3d: {  	_ =	shalt  }
0x3e: {  	_ =	shalt  }
0x3f: {  	_ =	shalt  }
0x40: {  	_ =	shalt  }
0x41: {  	_ =	shalt  }
0x42: {  	_ =	shalt  }
0x43: {  	_ =	shalt  }
0x44: {  	_ =	shalt  }
0x45: {  	_ =	shalt  }
0x46: {  	_ =	shalt  }
0x47: {  	_ =	shalt  }
0x48: {  	_ =	shalt  }
0x49: {  	_ =	shalt  }
0x4a: {  	_ =	shalt  }
0x4b: {  	_ =	shalt  }
0x4c: {  	_ =	shalt  }
0x4d: {  	_ =	shalt  }
0x4e: {  	_ =	shalt  }
0x4f: {  	_ =	shalt  }
0x50: {  	_ =	shalt  }
0x51: {  	_ =	shalt  }
0x52: {  	_ =	shalt  }
0x53: {  	_ =	shalt  }
0x54: {  	_ =	shalt  }
0x55: {  	_ =	shalt  }
0x56: {  	_ =	shalt  }
0x57: {  	_ =	shalt  }
0x58: {  	_ =	shalt  }
0x59: {  	_ =	shalt  }
0x5a: {  	_ =	shalt  }
0x5b: {  	_ =	shalt  }
0x5c: {  	_ =	shalt  }
0x5d: {  	_ =	shalt  }
0x5e: {  	_ =	shalt  }
0x5f: {  	_ =	shalt  }
0x60: {  	_ =	shalt  }
0x61: {  	_ =	shalt  }
0x62: {  	_ =	shalt  }
0x63: {  	_ =	shalt  }
0x64: {  	_ =	shalt  }
0x65: {  	_ =	shalt  }
0x66: {  	_ =	shalt  }
0x67: {  	_ =	shalt  }
0x68: {  	_ =	shalt  }
0x69: {  	_ =	shalt  }
0x6a: {  	_ =	shalt  }
0x6b: {  	_ =	shalt  }
0x6c: {  	_ =	shalt  }
0x6d: {  	_ =	shalt  }
0x6e: {  	_ =	shalt  }
0x6f: {  	_ =	shalt  }
0x70: {  	_ =	shalt  }
0x71: {  	_ =	shalt  }
0x72: {  	_ =	shalt  }
0x73: {  	_ =	shalt  }
0x74: {  	_ =	shalt  }
0x75: {  	_ =	shalt  }
0x76: {  	_ =	shalt  }
0x77: {  	_ =	shalt  }
0x78: {  	_ =	shalt  }
0x79: {  	_ =	shalt  }
0x7a: {  	_ =	shalt  }
0x7b: {  	_ =	shalt  }
0x7c: {  	_ =	shalt  }
0x7d: {  	_ =	shalt  }
0x7e: {  	_ =	shalt  }
0x7f: {  	_ =	shalt  }
0x80: {  	_ =	shalt  }
0x81: {  	_ =	shalt  }
0x82: {  	_ =	shalt  }
0x83: {  	_ =	shalt  }
0x84: {  	_ =	shalt  }
0x85: {  	_ =	shalt  }
0x86: {  	_ =	shalt  }
0x87: {  	_ =	shalt  }
.Lfunc_end0:
.L_simem_size_0:
called_computation.1_lowered:
.L_overlay_start_0:
0x88: {  	s2 =	sld [smem:$0x3FD9]  }
0x89: {  	s3 =	sld [smem:$0x3FFE];
	_ =	sdelay $0x1  }
0x8a: {  	s1 =	srdreg.scid  }
0x8b: {  	s0 =	sand.u32 $0x1, s1  }
0x8c: {  	s17 =	sshll.u32 s0, $0xA;
	s2 =	sadd.s32 s3, s2  }
0x8d: {  	s2 =	sadd.s32 s2, s17  }
0x8e: {  	[smem:$0x3FC6] =	sst s2  }
0x8f: {  	_ = 	snop  }
0x90: {  	s2 =	sld [smem:$0x3FD0];
	(tm) =	ssettm $0x1  }
0x91: {  	s18 =	sld [smem:$0x3FFB];
	_ =	sdelay $0x3  }
0x92: {  	_ =	strace s18  }
0x93: {  	s3 =	sld [smem:$0x3FFC];
	_ =	sdelay $0x3  }
0x94: {  	_ =	strace s3  }
0x95: {  	s3 =	sld [smem:$0x3FFD];
	_ =	sdelay $0x3  }
0x96: {  	_ =	strace s3  }
0x97: {  	_ =	strace $0x8FFFFFFF  }
0x98: {  	s19 =	sld [smem:$0x3FDB];
	_ =	sdelay $0x1  }
0x99: {  	s4 =	simm.s32 $_scs_section_size  }
0x9a: {  	s5 =	simm.s32 $_size__tile_overlayer_lowered;
	s6 =	simm.s32 $_tile_overlayer_lowered  }
0x9b: {  	s22 =	simm.s32 $0x1BFF;
	s21 =	sshll.u32 s6, $0x1;
	s3 =	sadd.s32 s4, s19  }
0x9c: {  	s7 =	simm.s32 $0x0;
	s20 =	sshll.u32 s5, $0x1;
	s5 =	sadd.s32 s21, s3  }
0x9d: {  	[timem:s7], [sflag:s22] =	dma.local [hbm:s5], s20  }
0x9e: {  	_ =	swait.ge [sflag:s22], s20  }
0x9f: {  	s4 =	ssub.s32 $0x0, s20;
	[sflag:s22] =	ssyncset.done $0x0  }
0xa0: {  	[sflag:s22] =	ssyncadd.s32 s4;
	_ =	sdelay $0x1  }
0xa1: {  	s23 =	simm.s32 $0x1B8B  }
0xa2: {  	_ =	swait.ge [sflag:s23], $0x1  }
0xa3: {  	[sflag:s23] =	ssyncset.done $0x0  }
0xa4: {  	s25 =	simm.s32 $0x1B8E;
	s24 =	sld [smem:$0x3FFE];
	[sflag:s23] =	ssyncadd.s32 $0xFFFFFFFF  }
0xa5: {  	s26 =	simm.s32 $execute0_lowered;
	[smem:$0x3FD2] =	sst s25  }
0xa6: {  	s5 =	sshll.u32 s26, $0x1;
	_ =	strace $0x80000046;
	[dreg:$0x1] =	wrdreg $0xFFFFFFFF  }
0xa7: {  	s28 =	simm.s32 $_size_execute0_lowered;
	s3 =	sadd.s32 s3, s5;
	[dreg:$0x0] =	wrdreg $0x0  }
0xa8: {  	s5 =	sshll.u32 s28, $0x1;
	[dreg:$0x2] =	wrdreg s3  }
0xa9: {  	[dreg:$0x3] =	wrdreg s5  }
0xaa: {  	[dreg:$0x4] =	wrdreg $0xC0  }
0xab: {  	_ =	task [dreg:s7], $0x5FFFF  }
0xac: {  	[dreg:$0x1] =	wrdreg $0xFFFFFFFF  }
0xad: {  	[dreg:$0x0] =	wrdreg $0x60  }
0xae: {  	[dreg:$0x2] =	wrdreg s24  }
0xaf: {  	[dreg:$0x3] =	wrdreg s2  }
0xb0: {  	[dreg:$0x4] =	wrdreg $0x9  }
0xb1: {  	_ =	task.clear_ibuf [dreg:s7], $0x5FFFF;
	_ =	strace $0x90000046  }
0xb2: {  	s29 =	simm.s32 $0x9;
	_ =	strace $0x80000048  }
0xb3: {  	_ =	swait.ge [sflag:s29], $0x1  }
0xb4: {  	[sflag:s29] =	ssyncadd.s32 $0xFFFFFFFF  }
0xb5: {  	_ =	strace $0x90000048  }
0xb6: {  	_ =	sfence  }
0xb7: {  	s30 =	sld [smem:$0x0];
	_ =	sdelay $0x2  }
0xb8: {  	s31 =	sshll.u32 s1, $0xD;
	s1 =	sshrl.u32 s1, $0x2  }
0xb9: {  	s3 =	sand.u32 $0x4000, s31;
	s1 =	sadd.s32 s1, s30  }
0xba: {  	s0 =	sor.u32 s3, s0;
	s1 =	sshll.u32 s1, $0x11  }
0xbb: {  	s0 =	sor.u32 s1, s0  }
0xbc: {  	s0 =	sadd.s32 $0x8F2B, s0  }
0xbd: {  	[sflag:s0] =	ssyncadd.remote.s32 $0x1  }
0xbe: {  	_ =	sfence.sel $0xFFFF  }
0xbf: {  	[dreg:$0x0] =	wrdreg $0xFFFFFFFF;
	(pc) =	sbr.abs _section_cstart, $3  }
0xc0: {  	[dreg:$0x1] =	wrdreg $0xFFFFFFFF  }
0xc1: {  	_ =	task.clear_ibuf [dreg:s7], $0x2FFFF;
	_ =	strace $0x9FFFFFFF  }
0xc2: {  	(tm) =	ssettm $0x7FFFFFFF  }
0xc3: {  	_ =	shalt  }
tec
execute0_lowered:
.L_overlay_start_1:
0x0: {  	(tag) =	ssettag $0x1  }
0x1: {  	s4 =	rddreg [dreg:$0x0]  }
0x2: {  	s5 =	rddreg [dreg:$0x1];
	s3 =	srdreg.scid;
	s2 =	simm.s32 $0x0  }
0x3: {  	s1 =	stileid.u32;
	s11 =	simm.s32 $0x8000;
	s12 =	simm.s32 $0x48  }
0x4: {  	s13 =	simm.s32 $0xC000;
	s14 =	simm.s32 $0xE400;
	s15 =	simm.s32 $0x4080  }
0x5: {  	s16 =	simm.s32 $0x12400;
	s17 =	simm.s32 $0x14800;
	s18 =	simm.s32 $0x18800  }
0x6: {  	s19 =	simm.s32 $0x1;
	s20 =	simm.s32 $0x2;
	s21 =	simm.s32 $0x6  }
0x7: {  	s22 =	simm.s32 $0x4;
	s23 =	simm.s32 $0x5;
	s24 =	simm.s32 $0x3  }
0x8: {  	s25 =	simm.s32 $0x0;
	s3 =	sand.u32 $0x1, s3;
	[smem:$0x7FF] =	sst s2  }
0x9: {  	s6 =	sshll.u32 s1, $0xC;
	s30 =	smul.u32 $0xC8000, s1;
	s7 =	sshll.u32 s3, $0xB  }
0xa: {  	_ =	strace $0x80000047;
	s9 =	ssub.s32 $0x2, s3;
	s10 =	smul.u32 $0x64000, s3  }
.Ltmp0:
0xb: {  	s3 =	sadd.s32 $0x11000, s4;
	s6 =	sor.u32 s7, s6;
	(pc) =	sbr.rel .LBB2_1-.Ltmp0, $4  }
0xc: {  	s7 =	sadd.s32 s30, s4;
	s31 =	sshrl.u32 s9, $0x1;
	s8 =	sadd.s32 s6, s4  }
0xd: {  	s9 =	ssub.s32 s9, s31;
	s7 =	sadd.s32 s10, s7;
	s5 =	sadd.s32 s5, s6  }
0xe: {  	s10 =	simm.s32 $0x80;
	s4 =	sadd.s32 $0x1000, s8;
	s6 =	smax.u32 s9, $0x1  }
0xf: {  	s7 =	sadd.s32 $0x199300, s7;
	s8 =	simm.s32 $0x7;
	s9 =	simm.s32 $0x4000  }
.LBB2_8:
0x10: {  	_ =	swait.ge [sflag:s20], $0x6400  }
0x11: {  	[sflag:s20] =	ssyncset.done $0x0  }
0x12: {  	[sflag:s20] =	ssyncadd.s32 $0xFFFF9C00  }
0x13: {  	[hbm4b:s30+s2] =	stream.linear.scatter [tilespmem:s14], [sflag:$0x5], $0x6400, $0x38;
	[tilespmem:$0x1AC00] =	vst v63  }
0x14: {  	_ =	swait.ge [sflag:s21], $0x6400  }
0x15: {  	[sflag:s21] =	ssyncset.done $0x0  }
0x16: {  	s25 =	sadd.s32 $0x1, s25;
	[sflag:s21] =	ssyncadd.s32 $0xFFFF9C00  }
0x17: {  	p0 =	sne.s32 s25, s6;
	_ =	swait.ge [sflag:s22], $0x6400  }
.Ltmp1:
0x18: {  	[sflag:s22] =	ssyncset.done $0x0;
	(pc) =	sbr.rel @!p0 .LBB2_9-.Ltmp1, $4  }
0x19: {  	[sflag:s22] =	ssyncadd.s32 $0xFFFF9C00  }
0x1a: {  	_ =	swait.ge [sflag:s23], $0x6400  }
0x1b: {  	[sflag:s23] =	ssyncset.done $0x0  }
0x1c: {  	[sflag:s23] =	ssyncadd.s32 $0xFFFF9C00  }
.LBB2_1:
0x1d: {  	[tilespmem:s2], [sflag:$0x7] =	stream.linear.gather [hbm4b:s4+s2], $0x4000, $0x38;
	[tilespmem:$0x1AC00] =	vst v63  }
0x1e: {  	_ =	swait.ge [sflag:s8], $0x4000  }
0x1f: {  	[sflag:s8] =	ssyncset.done $0x0  }
0x20: {  	[sflag:s8] =	ssyncadd.s32 $0xFFFFC000  }
0x21: {  	[tilespmem:s9], [sflag:$0x7] =	stream.linear.gather [hbm4b:s5+s2], $0x4000, $0x38;
	[tilespmem:$0x1AC00] =	vst v63  }
0x22: {  	_ =	swait.ge [sflag:s8], $0x4000  }
0x23: {  	[sflag:s8] =	ssyncset.done $0x0  }
0x24: {  	[sflag:s8] =	ssyncadd.s32 $0xFFFFC000  }
0x25: {  	[tilespmem:s11], [sflag:$0x1] =	stream.indirect.gather [hbm4b:s3+s10], $0x80, s2, s10, $0xb8;
	[tilespmem:$0x1AC00] =	vst v63  }
0x26: {  	_ = 	snop  }
0x27: {  	[tilespmem:s13], [sflag:$0x1] =	stream.indirect.gather [hbm4b:s3+s12], $0x80, s9, s12, $0xb8;
	[tilespmem:$0x1AC00] =	vst v63  }
0x28: {  	_ = 	snop  }
0x29: {  	[tilespmem:s14], [sflag:$0x2] =	stream.indirect.gather [hbm4b:s3+s10], $0x80, s10, s10, $0xb8;
	[tilespmem:$0x1AC00] =	vst v63  }
0x2a: {  	s26 =	smov.u32 s7;
	s28 =	simm.s32 $0x0;
	s29 =	simm.s32 $0x0  }
0x2b: {  	[tilespmem:s16], [sflag:$0x2] =	stream.indirect.gather [hbm4b:s3+s12], $0x80, s15, s12, $0xb8;
	[tilespmem:$0x1AC00] =	vst v63  }
.LBB2_2:
0x2c: {  	p0 =	seq.s32 s29, $0x0  }
.Ltmp2:
0x2d: {  	_ = 	snop;
	(pc) =	sbr.rel @p0 .LBB2_5-.Ltmp2, $1  }
0x2e: {  	_ =	sdelay $0x3  }
0x2f: {  	p0 =	seq.s32 s29, $0x2A  }
.Ltmp3:
0x30: {  	_ = 	snop;
	(pc) =	sbr.rel @p0 .LBB2_6-.Ltmp3, $1  }
0x31: {  	_ =	sdelay $0x3  }
0x32: {  	_ =	swait.ge [sflag:s21], $0x6400  }
0x33: {  	[sflag:s21] =	ssyncset.done $0x0  }
0x34: {  	[sflag:s21] =	ssyncadd.s32 $0xFFFF9C00  }
.LBB2_5:
0x35: {  	s30 =	sshra.s32 s28, $0x2  }
0x36: {  	s31 =	sadd.s32 $0x100, s30  }
0x37: {  	[tilespmem:s17], [sflag:$0x3] =	stream.indirect.gather [hbm4b:s3+s10], $0x80, s31, s10, $0xb8;
	[tilespmem:$0x1AC00] =	vst v63  }
0x38: {  	s30 =	sadd.s32 $0x4100, s30  }
0x39: {  	[tilespmem:s18], [sflag:$0x3] =	stream.indirect.gather [hbm4b:s3+s12], $0x80, s30, s12, $0xb8;
	[tilespmem:$0x1AC00] =	vst v63  }
.LBB2_6:
0x3a: {  	p0 =	seq.s32 s28, $0xFC00  }
.Ltmp4:
0x3b: {  	_ =	swait.ge [sflag:s19], $0x6400;
	(pc) =	sbr.rel @p0 .LBB2_8-.Ltmp4, $4  }
0x3c: {  	[sflag:s19] =	ssyncset.done $0x0  }
0x3d: {  	s30 =	sadd.s32 $0xFFFFE700, s26;
	[sflag:s19] =	ssyncadd.s32 $0xFFFF9C00  }
0x3e: {  	[hbm4b:s30+s2] =	stream.linear.scatter [tilespmem:s11], [sflag:$0x4], $0x6400, $0x38;
	[tilespmem:$0x1AC00] =	vst v63  }
0x3f: {  	s30 =	sadd.s32 $0xFFFFF380, s26  }
0x40: {  	_ =	swait.ge [sflag:s22], $0x6400  }
0x41: {  	s31 =	sshra.s32 s28, $0x2;
	[sflag:s22] =	ssyncset.done $0x0  }
0x42: {  	s0 =	sadd.s32 $0x180, s31;
	[sflag:s22] =	ssyncadd.s32 $0xFFFF9C00  }
0x43: {  	[tilespmem:s11], [sflag:$0x1] =	stream.indirect.gather [hbm4b:s3+s10], $0x80, s0, s10, $0xb8;
	[tilespmem:$0x1AC00] =	vst v63  }
0x44: {  	s0 =	sadd.s32 $0x4180, s31  }
0x45: {  	[tilespmem:s13], [sflag:$0x1] =	stream.indirect.gather [hbm4b:s3+s12], $0x80, s0, s12, $0xb8;
	[tilespmem:$0x1AC00] =	vst v63  }
0x46: {  	_ =	swait.ge [sflag:s20], $0x6400  }
0x47: {  	[sflag:s20] =	ssyncset.done $0x0  }
0x48: {  	[sflag:s20] =	ssyncadd.s32 $0xFFFF9C00  }
0x49: {  	[hbm4b:s30+s2] =	stream.linear.scatter [tilespmem:s14], [sflag:$0x5], $0x6400, $0x38;
	[tilespmem:$0x1AC00] =	vst v63  }
0x4a: {  	_ =	swait.ge [sflag:s23], $0x6400  }
0x4b: {  	[sflag:s23] =	ssyncset.done $0x0  }
0x4c: {  	s30 =	sadd.s32 $0x200, s31;
	[sflag:s23] =	ssyncadd.s32 $0xFFFF9C00  }
0x4d: {  	[tilespmem:s14], [sflag:$0x2] =	stream.indirect.gather [hbm4b:s3+s10], $0x80, s30, s10, $0xb8;
	[tilespmem:$0x1AC00] =	vst v63  }
0x4e: {  	s31 =	sadd.s32 $0x4200, s31  }
0x4f: {  	[tilespmem:s16], [sflag:$0x2] =	stream.indirect.gather [hbm4b:s3+s12], $0x80, s31, s12, $0xb8;
	[tilespmem:$0x1AC00] =	vst v63  }
.Ltmp5:
0x50: {  	_ =	swait.ge [sflag:s24], $0x6400;
	(pc) =	sbr.rel .LBB2_2-.Ltmp5, $4  }
0x51: {  	[sflag:s24] =	ssyncset.done $0x0  }
0x52: {  	[sflag:s24] =	ssyncadd.s32 $0xFFFF9C00  }
0x53: {  	[hbm4b:s26+s2] =	stream.linear.scatter [tilespmem:s17], [sflag:$0x6], $0x6400, $0x38;
	[tilespmem:$0x1AC00] =	vst v63  }
0x54: {  	s29 =	sadd.s32 $0x1, s29;
	s28 =	sadd.s32 $0x600, s28;
	s26 =	sadd.s32 $0x2580, s26  }
.LBB2_9:
0x55: {  	_ =	sfence.sel $0x180000  }
0x56: {  	[bflag:$0x0] =	sbarrier.arrive $0xFFFF  }
0x57: {  	_ =	strace $0x90000047  }
0x58: {  	[bflag:$0x2] =	sbarrier.arrive $0xFFFF  }
0x59: {  	p0 =	sne.s32 s1, $0x0;
	s0 =	rddreg [dreg:$0x2]  }
0x5a: {  	s0 =	sadd.s32 @!p0 $0x100000, s0  }
0x5b: {  	[sflag:s0] =	ssyncadd.tile.s32 @!p0 $0x1;
	_ =	shalt  }
.Lfunc_end2:
_tile_overlayer_lowered:
.L_overlay_start_2:
0x5c: {  	(tag) =	ssettag $0x2  }
0x5d: {  	s0 =	rddreg [dreg:$0x0];
	s2 =	stileid.u32  }
0x5e: {  	s1 =	rddreg [dreg:$0x1];
	p0 =	sne.s32 s2, $0x0  }
0x5f: {  	s3 =	rddreg [dreg:$0x2];
	[bflag:$0x3] =	sbarrier.arrive $0xFFFF;
	s2 =	simm.s32 @!p0 $0x1C07  }
0x60: {  	[timem:s3], [sflag:s2] =	dma.local @!p0 [hbm:s0], s1  }
0x61: {  	s0 =	simm.s32 @!p0 $0x7  }
0x62: {  	_ =	swait.ge @!p0 [sflag:s0], s1  }
0x63: {  	s1 =	ssub.s32 @!p0 $0x0, s1;
	[sflag:s0] =	ssyncset.done @!p0 $0x0  }
0x64: {  	[sflag:s0] =	ssyncadd.s32 @!p0 s1  }
0x65: {  	[bflag:$0x3] =	sbarrier.arrive $0xFFFF  }
0x66: {  	_ =	shalt  }

// kernel: sparse-core-data-format-call.cloned.1.call-start
scs
called_computation_lowered:
.L_overlay_start_0:
0x0: {  	s2 =	sld [smem:$0x3FD9]  }
0x1: {  	s3 =	sld [smem:$0x3FFE];
	_ =	sdelay $0x1  }
0x2: {  	s1 =	srdreg.scid  }
0x3: {  	s0 =	sand.u32 $0x1, s1  }
0x4: {  	s18 =	sshll.u32 s0, $0xA;
	s2 =	sadd.s32 s3, s2  }
0x5: {  	s2 =	sadd.s32 s2, s18  }
0x6: {  	[smem:$0x3FC6] =	sst s2  }
0x7: {  	_ = 	snop  }
0x8: {  	s2 =	sld [smem:$0x3FD0];
	(tm) =	ssettm $0x1  }
0x9: {  	s19 =	sld [smem:$0x3FFB];
	_ =	sdelay $0x3  }
0xa: {  	_ =	strace s19  }
0xb: {  	s3 =	sld [smem:$0x3FFC];
	_ =	sdelay $0x3  }
0xc: {  	_ =	strace s3  }
0xd: {  	s3 =	sld [smem:$0x3FFD];
	_ =	sdelay $0x3  }
0xe: {  	_ =	strace s3  }
0xf: {  	_ =	strace $0x8FFFFFFF  }
0x10: {  	s20 =	sld [smem:$0x3FDB];
	_ =	sdelay $0x1  }
0x11: {  	s4 =	simm.s32 $_scs_section_size  }
0x12: {  	s5 =	simm.s32 $_size__tile_overlayer_lowered;
	s6 =	simm.s32 $_tile_overlayer_lowered  }
0x13: {  	s23 =	simm.s32 $0x1BFF;
	s22 =	sshll.u32 s6, $0x1;
	s3 =	sadd.s32 s4, s20  }
0x14: {  	s7 =	simm.s32 $0x0;
	s21 =	sshll.u32 s5, $0x1;
	s5 =	sadd.s32 s22, s3  }
0x15: {  	[timem:s7], [sflag:s23] =	dma.local [hbm:s5], s21  }
0x16: {  	_ =	swait.ge [sflag:s23], s21  }
0x17: {  	s4 =	ssub.s32 $0x0, s21;
	[sflag:s23] =	ssyncset.done $0x0  }
0x18: {  	[sflag:s23] =	ssyncadd.s32 s4;
	_ =	sdelay $0x1  }
0x19: {  	s24 =	simm.s32 $0x1B8B  }
0x1a: {  	_ =	swait.ge [sflag:s24], $0x1  }
0x1b: {  	[sflag:s24] =	ssyncset.done $0x0  }
0x1c: {  	s26 =	simm.s32 $0x1B8E;
	s25 =	sld [smem:$0x3FFE];
	[sflag:s24] =	ssyncadd.s32 $0xFFFFFFFF  }
0x1d: {  	s27 =	simm.s32 $execute0_lowered;
	[smem:$0x3FD2] =	sst s26  }
0x1e: {  	s5 =	sshll.u32 s27, $0x1;
	_ =	strace $0x80000049;
	[dreg:$0x1] =	wrdreg $0xFFFFFFFF  }
0x1f: {  	s28 =	simm.s32 $_size_execute0_lowered;
	s3 =	sadd.s32 s3, s5;
	[dreg:$0x0] =	wrdreg $0x0  }
0x20: {  	s5 =	sshll.u32 s28, $0x1;
	[dreg:$0x2] =	wrdreg s3  }
0x21: {  	[dreg:$0x3] =	wrdreg s5  }
0x22: {  	[dreg:$0x4] =	wrdreg $0xC0  }
0x23: {  	_ =	task [dreg:s7], $0x5FFFF  }
0x24: {  	[dreg:$0x1] =	wrdreg $0xFFFFFFFF  }
0x25: {  	[dreg:$0x0] =	wrdreg $0x60  }
0x26: {  	[dreg:$0x2] =	wrdreg s25  }
0x27: {  	[dreg:$0x3] =	wrdreg s2  }
0x28: {  	[dreg:$0x4] =	wrdreg $0x9  }
0x29: {  	_ =	task.clear_ibuf [dreg:s7], $0x5FFFF;
	_ =	strace $0x90000049  }
0x2a: {  	s29 =	simm.s32 $0x9;
	_ =	strace $0x8000004B  }
0x2b: {  	_ =	swait.ge [sflag:s29], $0x1  }
0x2c: {  	[sflag:s29] =	ssyncadd.s32 $0xFFFFFFFF  }
0x2d: {  	_ =	strace $0x9000004B  }
0x2e: {  	_ =	sfence  }
0x2f: {  	s30 =	sld [smem:$0x0];
	_ =	sdelay $0x2  }
0x30: {  	s31 =	sshll.u32 s1, $0xD;
	s1 =	sshrl.u32 s1, $0x2  }
0x31: {  	s3 =	sand.u32 $0x4000, s31;
	s1 =	sadd.s32 s1, s30  }
0x32: {  	s0 =	sor.u32 s3, s0;
	s1 =	sshll.u32 s1, $0x11  }
0x33: {  	s0 =	sor.u32 s1, s0  }
0x34: {  	s0 =	sadd.s32 $0x8F2B, s0  }
0x35: {  	[sflag:s0] =	ssyncadd.remote.s32 $0x1  }
0x36: {  	_ =	sfence.sel $0xFFFF  }
0x37: {  	[dreg:$0x0] =	wrdreg $0xFFFFFFFF;
	(pc) =	sbr.abs _section_cstart, $3  }
0x38: {  	[dreg:$0x1] =	wrdreg $0xFFFFFFFF  }
0x39: {  	_ =	task.clear_ibuf [dreg:s7], $0x2FFFF;
	_ =	strace $0x9FFFFFFF  }
0x3a: {  	(tm) =	ssettm $0x7FFFFFFF  }
0x3b: {  	_ =	shalt  }
tec
execute0_lowered:
.L_overlay_start_1:
0x0: {  	(tag) =	ssettag $0x1  }
0x1: {  	s0 =	srdreg.scid  }
0x2: {  	s1 =	sshll.u32 s0, $0x4  }
0x3: {  	s0 =	stileid.u32;
	s1 =	sand.u32 $0x10, s1  }
0x4: {  	s1 =	sor.u32 s0, s1  }
0x5: {  	s6 =	rddreg [dreg:$0x0];
	s4 =	simm.s32 $0x1;
	s2 =	sshll.u32 s1, $0x7  }
0x6: {  	s7 =	simm.s32 $0x2;
	s12 =	simm.s32 $0x0;
	s1 =	ssub.s32 $0x1000, s2  }
0x7: {  	s8 =	simm.s32 $0x8000;
	s13 =	simm.s32 $0x0;
	s3 =	sand.u32 $0xF80, s1  }
0x8: {  	s9 =	simm.s32 $0x0;
	s5 =	sshrl.u32 s1, $0xC;
	p0 =	sne.s32 s3, $0x0  }
.Ltmp0:
0x9: {  	s1 =	rddreg [dreg:$0x2];
	s4 =	simm.s32 @!p0 $0x0;
	(pc) =	sbr.rel .LBB1_1-.Ltmp0, $4  }
0xa: {  	s11 =	simm.s32 $0x0;
	s3 =	rddreg [dreg:$0x1];
	s5 =	sadd.s32 s4, s5  }
0xb: {  	_ =	strace $0x8000004A;
	s4 =	simm.s32 $0x1;
	s5 =	smul.u32 $0xC8, s5  }
0xc: {  	s6 =	sadd.s32 $0x197A00, s6;
	s10 =	smov.u32 s2;
	[sflag:s4] =	ssyncpa.u1 $0x0  }
0xd: {  	p0 =	por $0x0, $0x0;
	[sflag:s7] =	ssyncpa.u1 $0x0;
	s7 =	sor.u32 $0x1, s5  }
.LBB1_4:
0xe: {  	s16 =	sshll.u32 s13, $0x3;
	s17 =	sand.u32 $0x78, s13  }
0xf: {  	s30 =	sand.u32 $0x7E00, s13;
	s12 =	sshll.u32 s12, $0xF;
	s16 =	sand.u32 $0xC00, s16  }
0x10: {  	[tilespmem:s15+$0x810 ss:$0x81] =	vst.msk $0xffff, v2;
	s31 =	sand.u32 $0x7, s13;
	s16 =	sor.u32 s17, s16;
	s17 =	sadd.s32 s3, s30  }
0x11: {  	[tilespmem:s15+$0x1020 ss:$0x81] =	vst.msk $0xffff, v0;
	s13 =	sshll.u32 s31, $0x12;
	s12 =	sadd.s32 s12, s17;
	s16 =	sshrl.u32 s16, $0x3  }
0x12: {  	[tilespmem:s15+$0x0 ss:$0x81] =	vst.msk $0xffff, v1;
	s13 =	sor.u32 $0x400, s13;
	s12 =	sadd.s32 s16, s12  }
0x13: {  	[hbm4b:s12+s13] =	stream.strided.scatter [tilespmem:s14], [sflag:$0x2], $0x2000, s8, s13, $0x20;
	[tilespmem:$0x8080] =	vst v63  }
.LBB1_5:
0x14: {  	s14 =	sadd.s32 $0x1, s9  }
0x15: {  	s12 =	sadd.s32 $0x1000, s10;
	s16 =	smov.u32 s10;
	p2 =	sgt.s32 s14, $0xC7  }
0x16: {  	s16 =	smov.u32 @p2 s12  }
0x17: {  	s14 =	simm.s32 @p2 $0x0;
	p2 =	sgt.s32 s16, $0xFFF  }
0x18: {  	s16 =	smov.u32 @p2 s2;
	p2 =	sne.s32 s11, s7  }
.Ltmp1:
0x19: {  	p1 =	slt.u32 s11, $0x2;
	(pc) =	sbr.rel @!p2 .LBB1_6-.Ltmp1, $4  }
0x1a: {  	s15 =	simm.s32 @!p1 $0x2  }
0x1b: {  	s13 =	smov.u32 s10;
	p0 =	por !p0, !p0;
	_ =	swait.ge @!p1 [sflag:s15], $0x2000  }
0x1c: {  	s12 =	smov.u32 s9;
	[sflag:s15] =	ssyncset.done @!p1 $0x0;
	s9 =	smov.u32 s14  }
0x1d: {  	s11 =	sadd.s32 $0x1, s11;
	[sflag:s15] =	ssyncadd.s32 @!p1 $0xFFFFE000;
	s10 =	smov.u32 s16  }
.LBB1_1:
0x1e: {  	p1 =	sge.u32 s11, s5  }
0x1f: {  	s14 =	sand.u32 @!p1 $0x1FFFFFF, s9  }
0x20: {  	s15 =	smulhi.u32 @!p1 $0x147AE15, s14;
	_ =	sdelay $0x1  }
0x21: {  	s15 =	smul.u32 @!p1 $0xC8, s15  }
0x22: {  	s16 =	sxor.u32 @!p1 $0xFFFFFFFF, s11;
	s17 =	smul.u32 @!p1 $0xC80, s10  }
0x23: {  	s31 =	sadd.s32 $0xFFFFFFFF, s11;
	s16 =	sshll.u32 @!p1 s16, $0xD;
	s14 =	ssub.s32 @!p1 s14, s15  }
0x24: {  	s15 =	sand.u32 @!p1 $0x2000, s16;
	s16 =	sadd.s32 @!p1 s6, s17;
	s14 =	sshll.u32 @!p1 s14, $0x4  }
0x25: {  	s17 =	simm.s32 @!p1 $0x6400;
	s14 =	sadd.s32 @!p1 s14, s16;
	s16 =	simm.s32 @!p1 $0x40  }
0x26: {  	[tilespmem:s15], [sflag:$0x1] =	stream.strided.gather @!p1 [hbm4b:s14+s16], $0x2000, s17, s16, $0x38;
	[tilespmem:$0x8080] =	vst v63  }
0x27: {  	p1 =	sge.u32 s31, s5  }
.Ltmp2:
0x28: {  	_ = 	snop;
	(pc) =	sbr.rel @p1 .LBB1_5-.Ltmp2, $1  }
0x29: {  	_ =	sdelay $0x3  }
0x2a: {  	s14 =	simm.s32 $0x1  }
0x2b: {  	_ =	swait.ge [sflag:s4], $0x2000;
	s14 =	simm.s32 @!p0 $0x0  }
0x2c: {  	[sflag:s4] =	ssyncset.done $0x0;
	s15 =	sshll.u32 s14, $0xD  }
0x2d: {  	[sflag:s4] =	ssyncadd.s32 $0xFFFFE000;
	s18 =	sor.u32 $0x20, s15  }
0x2e: {  	s14 =	smul.u32 $0x8100, s14;
	v3 =	vld [tilespmem:s18+$0x10]  }
0x2f: {  	s30 =	sand.u32 $0x1, s11;
	v2 =	vld [tilespmem:s18+$0xFFFFFFF0]  }
0x30: {  	s15 =	smul.u32 $0x8100, s30;
	s14 =	sshrl.u32 s14, $0x2;
	v0 =	vld [tilespmem:s18+$0x0]  }
0x31: {  	v1 =	vld [tilespmem:s18+$0xFFFFFFE0];
	s16 =	sor.u32 $0x4000, s14  }
0x32: {  	s31 =	sshrl.u32 s15, $0x2;
	s15 =	sadd.s32 $0x0, s16  }
0x33: {  	s17 =	simm.s32 $0x4;
	s18 =	sadd.s32 $0x40, s18;
	s14 =	sor.u32 $0x4000, s31;
	[tilespmem:s15+$0x1830 ss:$0x81] =	vst.msk $0xffff, v3  }
.LBB1_3:
0x34: {  	v3 =	vld [tilespmem:s18+$0x10];
	p1 =	sne.s32 s17, $0x1FC;
	[tilespmem:s15+$0x810 ss:$0x81] =	vst.msk $0xffff, v2;
	s19 =	smov.u32 s17;
	s17 =	sadd.s32 $0x4, s17  }
.Ltmp3:
0x35: {  	v2 =	vld [tilespmem:s18+$0xFFFFFFF0];
	[tilespmem:s15+$0x1020 ss:$0x81] =	vst.msk $0xffff, v0;
	(pc) =	sbr.rel @p1 .LBB1_3-.Ltmp3, $4  }
0x36: {  	v0 =	vld [tilespmem:s18+$0x0];
	[tilespmem:s15+$0x0 ss:$0x81] =	vst.msk $0xffff, v1  }
0x37: {  	s15 =	sshra.s32 s19, $0x2;
	v1 =	vld [tilespmem:s18+$0xFFFFFFE0]  }
0x38: {  	s15 =	sadd.s32 s15, s16  }
0x39: {  	s18 =	sadd.s32 $0x40, s18;
	[tilespmem:s15+$0x1830 ss:$0x81] =	vst.msk $0xffff, v3  }
.Ltmp4:
0x3a: {  	_ = 	snop;
	(pc) =	sbr.rel .LBB1_4-.Ltmp4, $1  }
0x3b: {  	_ =	sdelay $0x3  }
.LBB1_6:
0x3c: {  	_ =	sfence.sel $0x180000  }
0x3d: {  	s2 =	simm.s32 $0x1;
	[bflag:$0x0] =	sbarrier.arrive $0xFFFF  }
0x3e: {  	s31 =	simm.s32 $0x2;
	[sflag:s2] =	ssyncpa.u1 $0x1  }
0x3f: {  	[sflag:s31] =	ssyncpa.u1 $0x1  }
0x40: {  	p0 =	sne.s32 s0, $0x0;
	_ =	strace $0x9000004A  }
0x41: {  	s0 =	sadd.s32 @!p0 $0x100000, s1;
	[bflag:$0x2] =	sbarrier.arrive $0xFFFF  }
0x42: {  	[sflag:s0] =	ssyncadd.tile.s32 @!p0 $0x1;
	_ =	shalt  }
.Lfunc_end1:
_tile_overlayer_lowered:
.L_overlay_start_2:
0x43: {  	(tag) =	ssettag $0x2  }
0x44: {  	s0 =	rddreg [dreg:$0x0];
	s2 =	stileid.u32  }
0x45: {  	s1 =	rddreg [dreg:$0x1];
	p0 =	sne.s32 s2, $0x0  }
0x46: {  	s3 =	rddreg [dreg:$0x2];
	[bflag:$0x3] =	sbarrier.arrive $0xFFFF;
	s2 =	simm.s32 @!p0 $0x1C01  }
0x47: {  	[timem:s3], [sflag:s2] =	dma.local @!p0 [hbm:s0], s1  }
0x48: {  	s0 =	simm.s32 @!p0 $0x1  }
0x49: {  	_ =	swait.ge @!p0 [sflag:s0], s1  }
0x4a: {  	s1 =	ssub.s32 @!p0 $0x0, s1;
	[sflag:s0] =	ssyncset.done @!p0 $0x0  }
0x4b: {  	[sflag:s0] =	ssyncadd.s32 @!p0 s1  }
0x4c: {  	[bflag:$0x3] =	sbarrier.arrive $0xFFFF  }
0x4d: {  	_ =	shalt  }

</sc_bundles>
